<compile_context>
chip_gen: v7x
topology: tpu7x:2x2x1
jax: 0.10.2.dev20260603
libtpu: 0.0.44.dev20260713+nightly
codegen_flags: <defaults>
</compile_context>

<pallas_src>
import functools
import jax
import jax.numpy as jnp
from jax import lax
from jax.experimental import pallas as pl
from jax.experimental.pallas import tpu as pltpu
from jax.experimental.pallas import tpu_sc as plsc

N = 16384
V = 1000

_info = plsc.get_sparse_core_info()
NC, NS, L = _info.num_cores, _info.num_subcores, _info.num_lanes
NW = NC * NS
ROWS_PER_W = N // NW
CHUNK = 16
NCHUNK = ROWS_PER_W // CHUNK
NB = 4

_mesh = plsc.VectorSubcoreMesh(core_axis_name="c", subcore_axis_name="s")


@functools.partial(
    pl.kernel,
    mesh=_mesh,
    out_type=jax.ShapeDtypeStruct((N, V), jnp.float32),
    scratch_types=[
        pltpu.VMEM((ROWS_PER_W,), jnp.int32),
        pltpu.VMEM((CHUNK, V), jnp.float32),
        pltpu.VMEM((CHUNK, V), jnp.float32),
        pltpu.VMEM((CHUNK, V), jnp.float32),
        pltpu.VMEM((CHUNK, V), jnp.float32),
        pltpu.SemaphoreType.DMA,
        pltpu.SemaphoreType.DMA,
        pltpu.SemaphoreType.DMA,
        pltpu.SemaphoreType.DMA,
    ],
    compiler_params=pltpu.CompilerParams(needs_layout_passes=False),
)
def _sc_onehot(x_hbm, out_hbm, idx_v, buf0, buf1, buf2, buf3,
               sem0, sem1, sem2, sem3):
    wid = lax.axis_index("s") * NC + lax.axis_index("c")
    base_row = wid * ROWS_PER_W

    pltpu.sync_copy(x_hbm.at[pl.ds(base_row, ROWS_PER_W)], idx_v)

    bufs = (buf0, buf1, buf2, buf3)
    sems = (sem0, sem1, sem2, sem3)
    zeros16 = jnp.zeros((L,), jnp.float32)
    ones16 = jnp.ones((L,), jnp.float32)
    lane = lax.iota(jnp.int32, L)

    def _zero_row(r, carry):
        def _zero_k(k, c2):
            off = pl.multiple_of(k * L, L)
            for buf in bufs:
                buf[r, pl.ds(off, L)] = zeros16
            return c2

        lax.fori_loop(0, V // L, _zero_k, 0)
        rows = jnp.full((L,), r, jnp.int32)
        for buf in bufs:
            plsc.store_scatter(buf, [rows, (V - L) + lane], zeros16)
        return carry

    lax.fori_loop(0, CHUNK, _zero_row, 0)

    copies = [None] * NCHUNK
    positions = [None] * NCHUNK
    for c in range(NCHUNK):
        b = c % NB
        if c >= NB:
            copies[c - NB].wait()
            rows, cols = positions[c - NB]
            plsc.store_scatter(bufs[b], [rows, cols], zeros16)
        xs = idx_v[pl.ds(c * CHUNK, L)]
        plsc.store_scatter(bufs[b], [lane, xs], ones16)
        positions[c] = (lane, xs)
        row0 = base_row + c * CHUNK
        cp = pltpu.make_async_copy(
            bufs[b],
            out_hbm.at[pl.ds(row0, CHUNK), :],
            sems[b],
        )
        cp.start()
        copies[c] = cp
    for d in range(NB):
        copies[NCHUNK - NB + d].wait()


def kernel(X):
    return _sc_onehot(X)

# --- scband reference (transcript-rebuilt; emitter-appended) ---
"""Pipeline reference for scband-embedding-one-hot-36301063586084 (READ-ONLY COPY).

The authoritative reference and input builder live on the scoring server;
editing this copy changes nothing except your own understanding.
"""

import jax, jax.numpy as jnp
import numpy as np

INPUT_SIZE = 1000


def setup_inputs(seed: int = 0) -> dict:
    key = jax.random.key(seed)
    X = jax.random.randint(key, (16384,), 0, INPUT_SIZE, dtype=jnp.int64 if jax.config.read('jax_enable_x64') else jnp.int32)
    return {"X": X}


def reference(X) -> jnp.ndarray:
    # Faithful translation of F.one_hot(X, input_size).to(torch.float)
    out = jax.nn.one_hot(X, INPUT_SIZE, dtype=jnp.float32)
    return out

if __name__ == "__main__":
    import jax
    _d = setup_inputs()
    print(jax.jit(kernel)(*tuple(_d.values())))

</pallas_src>

<mosaic_0001>
#map = affine_map<(d0, d1) -> (0)>
#map1 = affine_map<(d0, d1) -> (0, 0)>
module attributes {stable_mosaic.version = 14 : i64} {
  func.func @_sc_onehot(%arg0: i32, %arg1: i32, %arg2: memref<16384xi32, #tpu.memory_space<hbm>>, %arg3: memref<16384x1000xf32, #tpu.memory_space<hbm>>, %arg4: memref<512xi32, #tpu.memory_space<vmem>>, %arg5: memref<16x1000xf32, #tpu.memory_space<vmem>>, %arg6: memref<16x1000xf32, #tpu.memory_space<vmem>>, %arg7: memref<16x1000xf32, #tpu.memory_space<vmem>>, %arg8: memref<16x1000xf32, #tpu.memory_space<vmem>>, %arg9: memref<!tpu.dma_semaphore, #tpu.memory_space<semaphore_mem>>, %arg10: memref<!tpu.dma_semaphore, #tpu.memory_space<semaphore_mem>>, %arg11: memref<!tpu.dma_semaphore, #tpu.memory_space<semaphore_mem>>, %arg12: memref<!tpu.dma_semaphore, #tpu.memory_space<semaphore_mem>>) attributes {dimension_semantics = [#tpu.dimension_semantics<core_parallel>, #tpu.dimension_semantics<subcore_parallel>], iteration_bounds = array<i64: 2, 16>, scalar_prefetch = 0 : i64, scratch_operands = 9 : i64, tpu.core_type = #tpu.core_type<sc_vector_subcore>, window_params = [{transform_indices = #map}, {transform_indices = #map1}]} {
    %mul3A = arith.constant 2 : i32
    %mul3A_0 = arith.muli %arg1, %mul3A : i32
    %add3A = arith.addi %mul3A_0, %arg0 : i32
    %mul3A_1 = arith.constant 512 : i32
    %mul3A_2 = arith.muli %add3A, %mul3A_1 : i32
    "tpu.region"() ({
      %run_scoped3A = tpu.sem_alloc : memref<!tpu.dma_semaphore, #tpu.memory_space<semaphore_mem>>
      %dma_start3A_392 = tpu.memref_slice %arg2[%mul3A_2] : memref<16384xi32, #tpu.memory_space<hbm>> -> memref<512xi32, #tpu.memory_space<hbm>>
      %dma_start3A_393 = tpu.memref_slice %arg2[%mul3A_2] : memref<16384xi32, #tpu.memory_space<hbm>> -> memref<512xi32, #tpu.memory_space<hbm>>
      tpu.enqueue_dma source(%dma_start3A_393 : memref<512xi32, #tpu.memory_space<hbm>>) target(%arg4 : memref<512xi32, #tpu.memory_space<vmem>>) target_semaphore(%run_scoped3A : memref<!tpu.dma_semaphore, #tpu.memory_space<semaphore_mem>>)
      %dma_wait3A_394 = tpu.memref_slice %arg2[%mul3A_2] : memref<16384xi32, #tpu.memory_space<hbm>> -> memref<512xi32, #tpu.memory_space<hbm>>
      %dma_wait3A_395 = tpu.memref_slice %arg2[%mul3A_2] : memref<16384xi32, #tpu.memory_space<hbm>> -> memref<512xi32, #tpu.memory_space<hbm>>
      tpu.wait_dma2 semaphore(%run_scoped3A : memref<!tpu.dma_semaphore, #tpu.memory_space<semaphore_mem>>) src(%dma_wait3A_395 : memref<512xi32, #tpu.memory_space<hbm>>) dst(%arg4 : memref<512xi32, #tpu.memory_space<vmem>>)
      tpu.yield
    }) : () -> ()
    %broadcast_in_dim3A = arith.constant 0.000000e+00 : f32
    %broadcast_in_dim3A_3 = vector.broadcast %broadcast_in_dim3A : f32 to vector<16xf32>
    %broadcast_in_dim3A_4 = arith.constant 1.000000e+00 : f32
    %broadcast_in_dim3A_5 = vector.broadcast %broadcast_in_dim3A_4 : f32 to vector<16xf32>
    %iota3A = tpu.iota {dimensions = array<i32: 0>} : vector<16xi32>
    %scan3A = arith.constant 0 : i32
    %scan3A_6 = arith.constant 0 : i32
    %scan3A_7 = arith.constant 16 : i32
    %scan3A_8 = arith.addi %scan3A_6, %scan3A_7 : i32
    %scan3A_9 = arith.constant 1 : i32
    scf.for %scan3A_392 = %scan3A_6 to %scan3A_8 step %scan3A_9  : i32 {
      %scan3A_393 = arith.constant 0 : i32
      %scan3A_394 = arith.constant 0 : i32
      %scan3A_395 = arith.constant 62 : i32
      %scan3A_396 = arith.addi %scan3A_394, %scan3A_395 : i32
      %scan3A_397 = arith.constant 1 : i32
      scf.for %scan3A_412 = %scan3A_394 to %scan3A_396 step %scan3A_397  : i32 {
        %mul3A_413 = arith.constant 16 : i32
        %mul3A_414 = arith.muli %scan3A_412, %mul3A_413 : i32
        %multiple_of3A = tpu.assume_multiple %mul3A_414, 16 : i32
        %swap3A = arith.index_cast %scan3A_392 : i32 to index
        %swap3A_415 = arith.index_cast %multiple_of3A : i32 to index
        %swap3A_416 = tpu.vector_load %arg5[%swap3A, %swap3A_415] {strides = array<i32>} : memref<16x1000xf32, #tpu.memory_space<vmem>>, vector<16xf32>,
        tpu.vector_store %arg5[%swap3A, %swap3A_415], %broadcast_in_dim3A_3 {strides = array<i32>} : memref<16x1000xf32, #tpu.memory_space<vmem>>, vector<16xf32>,
        %swap3A_417 = arith.index_cast %scan3A_392 : i32 to index
        %swap3A_418 = arith.index_cast %multiple_of3A : i32 to index
        %swap3A_419 = tpu.vector_load %arg6[%swap3A_417, %swap3A_418] {strides = array<i32>} : memref<16x1000xf32, #tpu.memory_space<vmem>>, vector<16xf32>,
        tpu.vector_store %arg6[%swap3A_417, %swap3A_418], %broadcast_in_dim3A_3 {strides = array<i32>} : memref<16x1000xf32, #tpu.memory_space<vmem>>, vector<16xf32>,
        %swap3A_420 = arith.index_cast %scan3A_392 : i32 to index
        %swap3A_421 = arith.index_cast %multiple_of3A : i32 to index
        %swap3A_422 = tpu.vector_load %arg7[%swap3A_420, %swap3A_421] {strides = array<i32>} : memref<16x1000xf32, #tpu.memory_space<vmem>>, vector<16xf32>,
        tpu.vector_store %arg7[%swap3A_420, %swap3A_421], %broadcast_in_dim3A_3 {strides = array<i32>} : memref<16x1000xf32, #tpu.memory_space<vmem>>, vector<16xf32>,
        %swap3A_423 = arith.index_cast %scan3A_392 : i32 to index
        %swap3A_424 = arith.index_cast %multiple_of3A : i32 to index
        %swap3A_425 = tpu.vector_load %arg8[%swap3A_423, %swap3A_424] {strides = array<i32>} : memref<16x1000xf32, #tpu.memory_space<vmem>>, vector<16xf32>,
        tpu.vector_store %arg8[%swap3A_423, %swap3A_424], %broadcast_in_dim3A_3 {strides = array<i32>} : memref<16x1000xf32, #tpu.memory_space<vmem>>, vector<16xf32>,
      }
      %scan3A_398 = arith.constant 62 : i32
      %broadcast_in_dim3A_399 = vector.broadcast %scan3A_392 : i32 to vector<16xi32>
      %add3A_400 = arith.constant 984 : i32
      %add3A_401 = vector.broadcast %add3A_400 : i32 to vector<16xi32>
      %add3A_402 = arith.addi %add3A_401, %iota3A : vector<16xi32>
      tpu.vector_store_idx %arg5[%broadcast_in_dim3A_399, %add3A_402], %broadcast_in_dim3A_3 : memref<16x1000xf32, #tpu.memory_space<vmem>>[vector<16xi32>, vector<16xi32>], vector<16xf32>,
      %add3A_403 = arith.constant 984 : i32
      %add3A_404 = vector.broadcast %add3A_403 : i32 to vector<16xi32>
      %add3A_405 = arith.addi %add3A_404, %iota3A : vector<16xi32>
      tpu.vector_store_idx %arg6[%broadcast_in_dim3A_399, %add3A_405], %broadcast_in_dim3A_3 : memref<16x1000xf32, #tpu.memory_space<vmem>>[vector<16xi32>, vector<16xi32>], vector<16xf32>,
      %add3A_406 = arith.constant 984 : i32
      %add3A_407 = vector.broadcast %add3A_406 : i32 to vector<16xi32>
      %add3A_408 = arith.addi %add3A_407, %iota3A : vector<16xi32>
      tpu.vector_store_idx %arg7[%broadcast_in_dim3A_399, %add3A_408], %broadcast_in_dim3A_3 : memref<16x1000xf32, #tpu.memory_space<vmem>>[vector<16xi32>, vector<16xi32>], vector<16xf32>,
      %add3A_409 = arith.constant 984 : i32
      %add3A_410 = vector.broadcast %add3A_409 : i32 to vector<16xi32>
      %add3A_411 = arith.addi %add3A_410, %iota3A : vector<16xi32>
      tpu.vector_store_idx %arg8[%broadcast_in_dim3A_399, %add3A_411], %broadcast_in_dim3A_3 : memref<16x1000xf32, #tpu.memory_space<vmem>>[vector<16xi32>, vector<16xi32>], vector<16xf32>,
    }
    %scan3A_10 = arith.constant 16 : i32
    %get3A = arith.constant 0 : index
    %get3A_11 = tpu.vector_load %arg4[%get3A] {strides = array<i32>} : memref<512xi32, #tpu.memory_space<vmem>>, vector<16xi32>,
    tpu.vector_store_idx %arg5[%iota3A, %get3A_11], %broadcast_in_dim3A_5 : memref<16x1000xf32, #tpu.memory_space<vmem>>[vector<16xi32>, vector<16xi32>], vector<16xf32>,
    %add3A_12 = arith.constant 0 : i32
    %add3A_13 = arith.addi %mul3A_2, %add3A_12 : i32
    %dma_start3A = arith.constant 0 : i32
    %dma_start3A_14 = tpu.memref_slice %arg3[%add3A_13, %dma_start3A] : memref<16384x1000xf32, #tpu.memory_space<hbm>> -> memref<16x1000xf32, #tpu.memory_space<hbm>>
    %dma_start3A_15 = arith.constant 0 : i32
    %dma_start3A_16 = tpu.memref_slice %arg3[%add3A_13, %dma_start3A_15] : memref<16384x1000xf32, #tpu.memory_space<hbm>> -> memref<16x1000xf32, #tpu.memory_space<hbm>>
    tpu.enqueue_dma source(%arg5 : memref<16x1000xf32, #tpu.memory_space<vmem>>) target(%dma_start3A_16 : memref<16x1000xf32, #tpu.memory_space<hbm>>) target_semaphore(%arg9 : memref<!tpu.dma_semaphore, #tpu.memory_space<semaphore_mem>>)
    %get3A_17 = arith.constant 16 : index
    %get3A_18 = tpu.vector_load %arg4[%get3A_17] {strides = array<i32>} : memref<512xi32, #tpu.memory_space<vmem>>, vector<16xi32>,
    tpu.vector_store_idx %arg6[%iota3A, %get3A_18], %broadcast_in_dim3A_5 : memref<16x1000xf32, #tpu.memory_space<vmem>>[vector<16xi32>, vector<16xi32>], vector<16xf32>,
    %add3A_19 = arith.constant 16 : i32
    %add3A_20 = arith.addi %mul3A_2, %add3A_19 : i32
    %dma_start3A_21 = arith.constant 0 : i32
    %dma_start3A_22 = tpu.memref_slice %arg3[%add3A_20, %dma_start3A_21] : memref<16384x1000xf32, #tpu.memory_space<hbm>> -> memref<16x1000xf32, #tpu.memory_space<hbm>>
    %dma_start3A_23 = arith.constant 0 : i32
    %dma_start3A_24 = tpu.memref_slice %arg3[%add3A_20, %dma_start3A_23] : memref<16384x1000xf32, #tpu.memory_space<hbm>> -> memref<16x1000xf32, #tpu.memory_space<hbm>>
    tpu.enqueue_dma source(%arg6 : memref<16x1000xf32, #tpu.memory_space<vmem>>) target(%dma_start3A_24 : memref<16x1000xf32, #tpu.memory_space<hbm>>) target_semaphore(%arg10 : memref<!tpu.dma_semaphore, #tpu.memory_space<semaphore_mem>>)
    %get3A_25 = arith.constant 32 : index
    %get3A_26 = tpu.vector_load %arg4[%get3A_25] {strides = array<i32>} : memref<512xi32, #tpu.memory_space<vmem>>, vector<16xi32>,
    tpu.vector_store_idx %arg7[%iota3A, %get3A_26], %broadcast_in_dim3A_5 : memref<16x1000xf32, #tpu.memory_space<vmem>>[vector<16xi32>, vector<16xi32>], vector<16xf32>,
    %add3A_27 = arith.constant 32 : i32
    %add3A_28 = arith.addi %mul3A_2, %add3A_27 : i32
    %dma_start3A_29 = arith.constant 0 : i32
    %dma_start3A_30 = tpu.memref_slice %arg3[%add3A_28, %dma_start3A_29] : memref<16384x1000xf32, #tpu.memory_space<hbm>> -> memref<16x1000xf32, #tpu.memory_space<hbm>>
    %dma_start3A_31 = arith.constant 0 : i32
    %dma_start3A_32 = tpu.memref_slice %arg3[%add3A_28, %dma_start3A_31] : memref<16384x1000xf32, #tpu.memory_space<hbm>> -> memref<16x1000xf32, #tpu.memory_space<hbm>>
    tpu.enqueue_dma source(%arg7 : memref<16x1000xf32, #tpu.memory_space<vmem>>) target(%dma_start3A_32 : memref<16x1000xf32, #tpu.memory_space<hbm>>) target_semaphore(%arg11 : memref<!tpu.dma_semaphore, #tpu.memory_space<semaphore_mem>>)
    %get3A_33 = arith.constant 48 : index
    %get3A_34 = tpu.vector_load %arg4[%get3A_33] {strides = array<i32>} : memref<512xi32, #tpu.memory_space<vmem>>, vector<16xi32>,
    tpu.vector_store_idx %arg8[%iota3A, %get3A_34], %broadcast_in_dim3A_5 : memref<16x1000xf32, #tpu.memory_space<vmem>>[vector<16xi32>, vector<16xi32>], vector<16xf32>,
    %add3A_35 = arith.constant 48 : i32
    %add3A_36 = arith.addi %mul3A_2, %add3A_35 : i32
    %dma_start3A_37 = arith.constant 0 : i32
    %dma_start3A_38 = tpu.memref_slice %arg3[%add3A_36, %dma_start3A_37] : memref<16384x1000xf32, #tpu.memory_space<hbm>> -> memref<16x1000xf32, #tpu.memory_space<hbm>>
    %dma_start3A_39 = arith.constant 0 : i32
    %dma_start3A_40 = tpu.memref_slice %arg3[%add3A_36, %dma_start3A_39] : memref<16384x1000xf32, #tpu.memory_space<hbm>> -> memref<16x1000xf32, #tpu.memory_space<hbm>>
    tpu.enqueue_dma source(%arg8 : memref<16x1000xf32, #tpu.memory_space<vmem>>) target(%dma_start3A_40 : memref<16x1000xf32, #tpu.memory_space<hbm>>) target_semaphore(%arg12 : memref<!tpu.dma_semaphore, #tpu.memory_space<semaphore_mem>>)
    %dma_wait3A = arith.constant 0 : i32
    %dma_wait3A_41 = tpu.memref_slice %arg3[%add3A_13, %dma_wait3A] : memref<16384x1000xf32, #tpu.memory_space<hbm>> -> memref<16x1000xf32, #tpu.memory_space<hbm>>
    %dma_wait3A_42 = arith.constant 0 : i32
    %dma_wait3A_43 = tpu.memref_slice %arg3[%add3A_13, %dma_wait3A_42] : memref<16384x1000xf32, #tpu.memory_space<hbm>> -> memref<16x1000xf32, #tpu.memory_space<hbm>>
    tpu.wait_dma2 semaphore(%arg9 : memref<!tpu.dma_semaphore, #tpu.memory_space<semaphore_mem>>) src(%arg5 : memref<16x1000xf32, #tpu.memory_space<vmem>>) dst(%dma_wait3A_43 : memref<16x1000xf32, #tpu.memory_space<hbm>>)
    tpu.vector_store_idx %arg5[%iota3A, %get3A_11], %broadcast_in_dim3A_3 : memref<16x1000xf32, #tpu.memory_space<vmem>>[vector<16xi32>, vector<16xi32>], vector<16xf32>,
    %get3A_44 = arith.constant 64 : index
    %get3A_45 = tpu.vector_load %arg4[%get3A_44] {strides = array<i32>} : memref<512xi32, #tpu.memory_space<vmem>>, vector<16xi32>,
    tpu.vector_store_idx %arg5[%iota3A, %get3A_45], %broadcast_in_dim3A_5 : memref<16x1000xf32, #tpu.memory_space<vmem>>[vector<16xi32>, vector<16xi32>], vector<16xf32>,
    %add3A_46 = arith.constant 64 : i32
    %add3A_47 = arith.addi %mul3A_2, %add3A_46 : i32
    %dma_start3A_48 = arith.constant 0 : i32
    %dma_start3A_49 = tpu.memref_slice %arg3[%add3A_47, %dma_start3A_48] : memref<16384x1000xf32, #tpu.memory_space<hbm>> -> memref<16x1000xf32, #tpu.memory_space<hbm>>
    %dma_start3A_50 = arith.constant 0 : i32
    %dma_start3A_51 = tpu.memref_slice %arg3[%add3A_47, %dma_start3A_50] : memref<16384x1000xf32, #tpu.memory_space<hbm>> -> memref<16x1000xf32, #tpu.memory_space<hbm>>
    tpu.enqueue_dma source(%arg5 : memref<16x1000xf32, #tpu.memory_space<vmem>>) target(%dma_start3A_51 : memref<16x1000xf32, #tpu.memory_space<hbm>>) target_semaphore(%arg9 : memref<!tpu.dma_semaphore, #tpu.memory_space<semaphore_mem>>)
    %dma_wait3A_52 = arith.constant 0 : i32
    %dma_wait3A_53 = tpu.memref_slice %arg3[%add3A_20, %dma_wait3A_52] : memref<16384x1000xf32, #tpu.memory_space<hbm>> -> memref<16x1000xf32, #tpu.memory_space<hbm>>
    %dma_wait3A_54 = arith.constant 0 : i32
    %dma_wait3A_55 = tpu.memref_slice %arg3[%add3A_20, %dma_wait3A_54] : memref<16384x1000xf32, #tpu.memory_space<hbm>> -> memref<16x1000xf32, #tpu.memory_space<hbm>>
    tpu.wait_dma2 semaphore(%arg10 : memref<!tpu.dma_semaphore, #tpu.memory_space<semaphore_mem>>) src(%arg6 : memref<16x1000xf32, #tpu.memory_space<vmem>>) dst(%dma_wait3A_55 : memref<16x1000xf32, #tpu.memory_space<hbm>>)
    tpu.vector_store_idx %arg6[%iota3A, %get3A_18], %broadcast_in_dim3A_3 : memref<16x1000xf32, #tpu.memory_space<vmem>>[vector<16xi32>, vector<16xi32>], vector<16xf32>,
    %get3A_56 = arith.constant 80 : index
    %get3A_57 = tpu.vector_load %arg4[%get3A_56] {strides = array<i32>} : memref<512xi32, #tpu.memory_space<vmem>>, vector<16xi32>,
    tpu.vector_store_idx %arg6[%iota3A, %get3A_57], %broadcast_in_dim3A_5 : memref<16x1000xf32, #tpu.memory_space<vmem>>[vector<16xi32>, vector<16xi32>], vector<16xf32>,
    %add3A_58 = arith.constant 80 : i32
    %add3A_59 = arith.addi %mul3A_2, %add3A_58 : i32
    %dma_start3A_60 = arith.constant 0 : i32
    %dma_start3A_61 = tpu.memref_slice %arg3[%add3A_59, %dma_start3A_60] : memref<16384x1000xf32, #tpu.memory_space<hbm>> -> memref<16x1000xf32, #tpu.memory_space<hbm>>
    %dma_start3A_62 = arith.constant 0 : i32
    %dma_start3A_63 = tpu.memref_slice %arg3[%add3A_59, %dma_start3A_62] : memref<16384x1000xf32, #tpu.memory_space<hbm>> -> memref<16x1000xf32, #tpu.memory_space<hbm>>
    tpu.enqueue_dma source(%arg6 : memref<16x1000xf32, #tpu.memory_space<vmem>>) target(%dma_start3A_63 : memref<16x1000xf32, #tpu.memory_space<hbm>>) target_semaphore(%arg10 : memref<!tpu.dma_semaphore, #tpu.memory_space<semaphore_mem>>)
    %dma_wait3A_64 = arith.constant 0 : i32
    %dma_wait3A_65 = tpu.memref_slice %arg3[%add3A_28, %dma_wait3A_64] : memref<16384x1000xf32, #tpu.memory_space<hbm>> -> memref<16x1000xf32, #tpu.memory_space<hbm>>
    %dma_wait3A_66 = arith.constant 0 : i32
    %dma_wait3A_67 = tpu.memref_slice %arg3[%add3A_28, %dma_wait3A_66] : memref<16384x1000xf32, #tpu.memory_space<hbm>> -> memref<16x1000xf32, #tpu.memory_space<hbm>>
    tpu.wait_dma2 semaphore(%arg11 : memref<!tpu.dma_semaphore, #tpu.memory_space<semaphore_mem>>) src(%arg7 : memref<16x1000xf32, #tpu.memory_space<vmem>>) dst(%dma_wait3A_67 : memref<16x1000xf32, #tpu.memory_space<hbm>>)
    tpu.vector_store_idx %arg7[%iota3A, %get3A_26], %broadcast_in_dim3A_3 : memref<16x1000xf32, #tpu.memory_space<vmem>>[vector<16xi32>, vector<16xi32>], vector<16xf32>,
    %get3A_68 = arith.constant 96 : index
    %get3A_69 = tpu.vector_load %arg4[%get3A_68] {strides = array<i32>} : memref<512xi32, #tpu.memory_space<vmem>>, vector<16xi32>,
    tpu.vector_store_idx %arg7[%iota3A, %get3A_69], %broadcast_in_dim3A_5 : memref<16x1000xf32, #tpu.memory_space<vmem>>[vector<16xi32>, vector<16xi32>], vector<16xf32>,
    %add3A_70 = arith.constant 96 : i32
    %add3A_71 = arith.addi %mul3A_2, %add3A_70 : i32
    %dma_start3A_72 = arith.constant 0 : i32
    %dma_start3A_73 = tpu.memref_slice %arg3[%add3A_71, %dma_start3A_72] : memref<16384x1000xf32, #tpu.memory_space<hbm>> -> memref<16x1000xf32, #tpu.memory_space<hbm>>
    %dma_start3A_74 = arith.constant 0 : i32
    %dma_start3A_75 = tpu.memref_slice %arg3[%add3A_71, %dma_start3A_74] : memref<16384x1000xf32, #tpu.memory_space<hbm>> -> memref<16x1000xf32, #tpu.memory_space<hbm>>
    tpu.enqueue_dma source(%arg7 : memref<16x1000xf32, #tpu.memory_space<vmem>>) target(%dma_start3A_75 : memref<16x1000xf32, #tpu.memory_space<hbm>>) target_semaphore(%arg11 : memref<!tpu.dma_semaphore, #tpu.memory_space<semaphore_mem>>)
    %dma_wait3A_76 = arith.constant 0 : i32
    %dma_wait3A_77 = tpu.memref_slice %arg3[%add3A_36, %dma_wait3A_76] : memref<16384x1000xf32, #tpu.memory_space<hbm>> -> memref<16x1000xf32, #tpu.memory_space<hbm>>
    %dma_wait3A_78 = arith.constant 0 : i32
    %dma_wait3A_79 = tpu.memref_slice %arg3[%add3A_36, %dma_wait3A_78] : memref<16384x1000xf32, #tpu.memory_space<hbm>> -> memref<16x1000xf32, #tpu.memory_space<hbm>>
    tpu.wait_dma2 semaphore(%arg12 : memref<!tpu.dma_semaphore, #tpu.memory_space<semaphore_mem>>) src(%arg8 : memref<16x1000xf32, #tpu.memory_space<vmem>>) dst(%dma_wait3A_79 : memref<16x1000xf32, #tpu.memory_space<hbm>>)
    tpu.vector_store_idx %arg8[%iota3A, %get3A_34], %broadcast_in_dim3A_3 : memref<16x1000xf32, #tpu.memory_space<vmem>>[vector<16xi32>, vector<16xi32>], vector<16xf32>,
    %get3A_80 = arith.constant 112 : index
    %get3A_81 = tpu.vector_load %arg4[%get3A_80] {strides = array<i32>} : memref<512xi32, #tpu.memory_space<vmem>>, vector<16xi32>,
    tpu.vector_store_idx %arg8[%iota3A, %get3A_81], %broadcast_in_dim3A_5 : memref<16x1000xf32, #tpu.memory_space<vmem>>[vector<16xi32>, vector<16xi32>], vector<16xf32>,
    %add3A_82 = arith.constant 112 : i32
    %add3A_83 = arith.addi %mul3A_2, %add3A_82 : i32
    %dma_start3A_84 = arith.constant 0 : i32
    %dma_start3A_85 = tpu.memref_slice %arg3[%add3A_83, %dma_start3A_84] : memref<16384x1000xf32, #tpu.memory_space<hbm>> -> memref<16x1000xf32, #tpu.memory_space<hbm>>
    %dma_start3A_86 = arith.constant 0 : i32
    %dma_start3A_87 = tpu.memref_slice %arg3[%add3A_83, %dma_start3A_86] : memref<16384x1000xf32, #tpu.memory_space<hbm>> -> memref<16x1000xf32, #tpu.memory_space<hbm>>
    tpu.enqueue_dma source(%arg8 : memref<16x1000xf32, #tpu.memory_space<vmem>>) target(%dma_start3A_87 : memref<16x1000xf32, #tpu.memory_space<hbm>>) target_semaphore(%arg12 : memref<!tpu.dma_semaphore, #tpu.memory_space<semaphore_mem>>)
    %dma_wait3A_88 = arith.constant 0 : i32
    %dma_wait3A_89 = tpu.memref_slice %arg3[%add3A_47, %dma_wait3A_88] : memref<16384x1000xf32, #tpu.memory_space<hbm>> -> memref<16x1000xf32, #tpu.memory_space<hbm>>
    %dma_wait3A_90 = arith.constant 0 : i32
    %dma_wait3A_91 = tpu.memref_slice %arg3[%add3A_47, %dma_wait3A_90] : memref<16384x1000xf32, #tpu.memory_space<hbm>> -> memref<16x1000xf32, #tpu.memory_space<hbm>>
    tpu.wait_dma2 semaphore(%arg9 : memref<!tpu.dma_semaphore, #tpu.memory_space<semaphore_mem>>) src(%arg5 : memref<16x1000xf32, #tpu.memory_space<vmem>>) dst(%dma_wait3A_91 : memref<16x1000xf32, #tpu.memory_space<hbm>>)
    tpu.vector_store_idx %arg5[%iota3A, %get3A_45], %broadcast_in_dim3A_3 : memref<16x1000xf32, #tpu.memory_space<vmem>>[vector<16xi32>, vector<16xi32>], vector<16xf32>,
    %get3A_92 = arith.constant 128 : index
    %get3A_93 = tpu.vector_load %arg4[%get3A_92] {strides = array<i32>} : memref<512xi32, #tpu.memory_space<vmem>>, vector<16xi32>,
    tpu.vector_store_idx %arg5[%iota3A, %get3A_93], %broadcast_in_dim3A_5 : memref<16x1000xf32, #tpu.memory_space<vmem>>[vector<16xi32>, vector<16xi32>], vector<16xf32>,
    %add3A_94 = arith.constant 128 : i32
    %add3A_95 = arith.addi %mul3A_2, %add3A_94 : i32
    %dma_start3A_96 = arith.constant 0 : i32
    %dma_start3A_97 = tpu.memref_slice %arg3[%add3A_95, %dma_start3A_96] : memref<16384x1000xf32, #tpu.memory_space<hbm>> -> memref<16x1000xf32, #tpu.memory_space<hbm>>
    %dma_start3A_98 = arith.constant 0 : i32
    %dma_start3A_99 = tpu.memref_slice %arg3[%add3A_95, %dma_start3A_98] : memref<16384x1000xf32, #tpu.memory_space<hbm>> -> memref<16x1000xf32, #tpu.memory_space<hbm>>
    tpu.enqueue_dma source(%arg5 : memref<16x1000xf32, #tpu.memory_space<vmem>>) target(%dma_start3A_99 : memref<16x1000xf32, #tpu.memory_space<hbm>>) target_semaphore(%arg9 : memref<!tpu.dma_semaphore, #tpu.memory_space<semaphore_mem>>)
    %dma_wait3A_100 = arith.constant 0 : i32
    %dma_wait3A_101 = tpu.memref_slice %arg3[%add3A_59, %dma_wait3A_100] : memref<16384x1000xf32, #tpu.memory_space<hbm>> -> memref<16x1000xf32, #tpu.memory_space<hbm>>
    %dma_wait3A_102 = arith.constant 0 : i32
    %dma_wait3A_103 = tpu.memref_slice %arg3[%add3A_59, %dma_wait3A_102] : memref<16384x1000xf32, #tpu.memory_space<hbm>> -> memref<16x1000xf32, #tpu.memory_space<hbm>>
    tpu.wait_dma2 semaphore(%arg10 : memref<!tpu.dma_semaphore, #tpu.memory_space<semaphore_mem>>) src(%arg6 : memref<16x1000xf32, #tpu.memory_space<vmem>>) dst(%dma_wait3A_103 : memref<16x1000xf32, #tpu.memory_space<hbm>>)
    tpu.vector_store_idx %arg6[%iota3A, %get3A_57], %broadcast_in_dim3A_3 : memref<16x1000xf32, #tpu.memory_space<vmem>>[vector<16xi32>, vector<16xi32>], vector<16xf32>,
    %get3A_104 = arith.constant 144 : index
    %get3A_105 = tpu.vector_load %arg4[%get3A_104] {strides = array<i32>} : memref<512xi32, #tpu.memory_space<vmem>>, vector<16xi32>,
    tpu.vector_store_idx %arg6[%iota3A, %get3A_105], %broadcast_in_dim3A_5 : memref<16x1000xf32, #tpu.memory_space<vmem>>[vector<16xi32>, vector<16xi32>], vector<16xf32>,
    %add3A_106 = arith.constant 144 : i32
    %add3A_107 = arith.addi %mul3A_2, %add3A_106 : i32
    %dma_start3A_108 = arith.constant 0 : i32
    %dma_start3A_109 = tpu.memref_slice %arg3[%add3A_107, %dma_start3A_108] : memref<16384x1000xf32, #tpu.memory_space<hbm>> -> memref<16x1000xf32, #tpu.memory_space<hbm>>
    %dma_start3A_110 = arith.constant 0 : i32
    %dma_start3A_111 = tpu.memref_slice %arg3[%add3A_107, %dma_start3A_110] : memref<16384x1000xf32, #tpu.memory_space<hbm>> -> memref<16x1000xf32, #tpu.memory_space<hbm>>
    tpu.enqueue_dma source(%arg6 : memref<16x1000xf32, #tpu.memory_space<vmem>>) target(%dma_start3A_111 : memref<16x1000xf32, #tpu.memory_space<hbm>>) target_semaphore(%arg10 : memref<!tpu.dma_semaphore, #tpu.memory_space<semaphore_mem>>)
    %dma_wait3A_112 = arith.constant 0 : i32
    %dma_wait3A_113 = tpu.memref_slice %arg3[%add3A_71, %dma_wait3A_112] : memref<16384x1000xf32, #tpu.memory_space<hbm>> -> memref<16x1000xf32, #tpu.memory_space<hbm>>
    %dma_wait3A_114 = arith.constant 0 : i32
    %dma_wait3A_115 = tpu.memref_slice %arg3[%add3A_71, %dma_wait3A_114] : memref<16384x1000xf32, #tpu.memory_space<hbm>> -> memref<16x1000xf32, #tpu.memory_space<hbm>>
    tpu.wait_dma2 semaphore(%arg11 : memref<!tpu.dma_semaphore, #tpu.memory_space<semaphore_mem>>) src(%arg7 : memref<16x1000xf32, #tpu.memory_space<vmem>>) dst(%dma_wait3A_115 : memref<16x1000xf32, #tpu.memory_space<hbm>>)
    tpu.vector_store_idx %arg7[%iota3A, %get3A_69], %broadcast_in_dim3A_3 : memref<16x1000xf32, #tpu.memory_space<vmem>>[vector<16xi32>, vector<16xi32>], vector<16xf32>,
    %get3A_116 = arith.constant 160 : index
    %get3A_117 = tpu.vector_load %arg4[%get3A_116] {strides = array<i32>} : memref<512xi32, #tpu.memory_space<vmem>>, vector<16xi32>,
    tpu.vector_store_idx %arg7[%iota3A, %get3A_117], %broadcast_in_dim3A_5 : memref<16x1000xf32, #tpu.memory_space<vmem>>[vector<16xi32>, vector<16xi32>], vector<16xf32>,
    %add3A_118 = arith.constant 160 : i32
    %add3A_119 = arith.addi %mul3A_2, %add3A_118 : i32
    %dma_start3A_120 = arith.constant 0 : i32
    %dma_start3A_121 = tpu.memref_slice %arg3[%add3A_119, %dma_start3A_120] : memref<16384x1000xf32, #tpu.memory_space<hbm>> -> memref<16x1000xf32, #tpu.memory_space<hbm>>
    %dma_start3A_122 = arith.constant 0 : i32
    %dma_start3A_123 = tpu.memref_slice %arg3[%add3A_119, %dma_start3A_122] : memref<16384x1000xf32, #tpu.memory_space<hbm>> -> memref<16x1000xf32, #tpu.memory_space<hbm>>
    tpu.enqueue_dma source(%arg7 : memref<16x1000xf32, #tpu.memory_space<vmem>>) target(%dma_start3A_123 : memref<16x1000xf32, #tpu.memory_space<hbm>>) target_semaphore(%arg11 : memref<!tpu.dma_semaphore, #tpu.memory_space<semaphore_mem>>)
    %dma_wait3A_124 = arith.constant 0 : i32
    %dma_wait3A_125 = tpu.memref_slice %arg3[%add3A_83, %dma_wait3A_124] : memref<16384x1000xf32, #tpu.memory_space<hbm>> -> memref<16x1000xf32, #tpu.memory_space<hbm>>
    %dma_wait3A_126 = arith.constant 0 : i32
    %dma_wait3A_127 = tpu.memref_slice %arg3[%add3A_83, %dma_wait3A_126] : memref<16384x1000xf32, #tpu.memory_space<hbm>> -> memref<16x1000xf32, #tpu.memory_space<hbm>>
    tpu.wait_dma2 semaphore(%arg12 : memref<!tpu.dma_semaphore, #tpu.memory_space<semaphore_mem>>) src(%arg8 : memref<16x1000xf32, #tpu.memory_space<vmem>>) dst(%dma_wait3A_127 : memref<16x1000xf32, #tpu.memory_space<hbm>>)
    tpu.vector_store_idx %arg8[%iota3A, %get3A_81], %broadcast_in_dim3A_3 : memref<16x1000xf32, #tpu.memory_space<vmem>>[vector<16xi32>, vector<16xi32>], vector<16xf32>,
    %get3A_128 = arith.constant 176 : index
    %get3A_129 = tpu.vector_load %arg4[%get3A_128] {strides = array<i32>} : memref<512xi32, #tpu.memory_space<vmem>>, vector<16xi32>,
    tpu.vector_store_idx %arg8[%iota3A, %get3A_129], %broadcast_in_dim3A_5 : memref<16x1000xf32, #tpu.memory_space<vmem>>[vector<16xi32>, vector<16xi32>], vector<16xf32>,
    %add3A_130 = arith.constant 176 : i32
    %add3A_131 = arith.addi %mul3A_2, %add3A_130 : i32
    %dma_start3A_132 = arith.constant 0 : i32
    %dma_start3A_133 = tpu.memref_slice %arg3[%add3A_131, %dma_start3A_132] : memref<16384x1000xf32, #tpu.memory_space<hbm>> -> memref<16x1000xf32, #tpu.memory_space<hbm>>
    %dma_start3A_134 = arith.constant 0 : i32
    %dma_start3A_135 = tpu.memref_slice %arg3[%add3A_131, %dma_start3A_134] : memref<16384x1000xf32, #tpu.memory_space<hbm>> -> memref<16x1000xf32, #tpu.memory_space<hbm>>
    tpu.enqueue_dma source(%arg8 : memref<16x1000xf32, #tpu.memory_space<vmem>>) target(%dma_start3A_135 : memref<16x1000xf32, #tpu.memory_space<hbm>>) target_semaphore(%arg12 : memref<!tpu.dma_semaphore, #tpu.memory_space<semaphore_mem>>)
    %dma_wait3A_136 = arith.constant 0 : i32
    %dma_wait3A_137 = tpu.memref_slice %arg3[%add3A_95, %dma_wait3A_136] : memref<16384x1000xf32, #tpu.memory_space<hbm>> -> memref<16x1000xf32, #tpu.memory_space<hbm>>
    %dma_wait3A_138 = arith.constant 0 : i32
    %dma_wait3A_139 = tpu.memref_slice %arg3[%add3A_95, %dma_wait3A_138] : memref<16384x1000xf32, #tpu.memory_space<hbm>> -> memref<16x1000xf32, #tpu.memory_space<hbm>>
    tpu.wait_dma2 semaphore(%arg9 : memref<!tpu.dma_semaphore, #tpu.memory_space<semaphore_mem>>) src(%arg5 : memref<16x1000xf32, #tpu.memory_space<vmem>>) dst(%dma_wait3A_139 : memref<16x1000xf32, #tpu.memory_space<hbm>>)
    tpu.vector_store_idx %arg5[%iota3A, %get3A_93], %broadcast_in_dim3A_3 : memref<16x1000xf32, #tpu.memory_space<vmem>>[vector<16xi32>, vector<16xi32>], vector<16xf32>,
    %get3A_140 = arith.constant 192 : index
    %get3A_141 = tpu.vector_load %arg4[%get3A_140] {strides = array<i32>} : memref<512xi32, #tpu.memory_space<vmem>>, vector<16xi32>,
    tpu.vector_store_idx %arg5[%iota3A, %get3A_141], %broadcast_in_dim3A_5 : memref<16x1000xf32, #tpu.memory_space<vmem>>[vector<16xi32>, vector<16xi32>], vector<16xf32>,
    %add3A_142 = arith.constant 192 : i32
    %add3A_143 = arith.addi %mul3A_2, %add3A_142 : i32
    %dma_start3A_144 = arith.constant 0 : i32
    %dma_start3A_145 = tpu.memref_slice %arg3[%add3A_143, %dma_start3A_144] : memref<16384x1000xf32, #tpu.memory_space<hbm>> -> memref<16x1000xf32, #tpu.memory_space<hbm>>
    %dma_start3A_146 = arith.constant 0 : i32
    %dma_start3A_147 = tpu.memref_slice %arg3[%add3A_143, %dma_start3A_146] : memref<16384x1000xf32, #tpu.memory_space<hbm>> -> memref<16x1000xf32, #tpu.memory_space<hbm>>
    tpu.enqueue_dma source(%arg5 : memref<16x1000xf32, #tpu.memory_space<vmem>>) target(%dma_start3A_147 : memref<16x1000xf32, #tpu.memory_space<hbm>>) target_semaphore(%arg9 : memref<!tpu.dma_semaphore, #tpu.memory_space<semaphore_mem>>)
    %dma_wait3A_148 = arith.constant 0 : i32
    %dma_wait3A_149 = tpu.memref_slice %arg3[%add3A_107, %dma_wait3A_148] : memref<16384x1000xf32, #tpu.memory_space<hbm>> -> memref<16x1000xf32, #tpu.memory_space<hbm>>
    %dma_wait3A_150 = arith.constant 0 : i32
    %dma_wait3A_151 = tpu.memref_slice %arg3[%add3A_107, %dma_wait3A_150] : memref<16384x1000xf32, #tpu.memory_space<hbm>> -> memref<16x1000xf32, #tpu.memory_space<hbm>>
    tpu.wait_dma2 semaphore(%arg10 : memref<!tpu.dma_semaphore, #tpu.memory_space<semaphore_mem>>) src(%arg6 : memref<16x1000xf32, #tpu.memory_space<vmem>>) dst(%dma_wait3A_151 : memref<16x1000xf32, #tpu.memory_space<hbm>>)
    tpu.vector_store_idx %arg6[%iota3A, %get3A_105], %broadcast_in_dim3A_3 : memref<16x1000xf32, #tpu.memory_space<vmem>>[vector<16xi32>, vector<16xi32>], vector<16xf32>,
    %get3A_152 = arith.constant 208 : index
    %get3A_153 = tpu.vector_load %arg4[%get3A_152] {strides = array<i32>} : memref<512xi32, #tpu.memory_space<vmem>>, vector<16xi32>,
    tpu.vector_store_idx %arg6[%iota3A, %get3A_153], %broadcast_in_dim3A_5 : memref<16x1000xf32, #tpu.memory_space<vmem>>[vector<16xi32>, vector<16xi32>], vector<16xf32>,
    %add3A_154 = arith.constant 208 : i32
    %add3A_155 = arith.addi %mul3A_2, %add3A_154 : i32
    %dma_start3A_156 = arith.constant 0 : i32
    %dma_start3A_157 = tpu.memref_slice %arg3[%add3A_155, %dma_start3A_156] : memref<16384x1000xf32, #tpu.memory_space<hbm>> -> memref<16x1000xf32, #tpu.memory_space<hbm>>
    %dma_start3A_158 = arith.constant 0 : i32
    %dma_start3A_159 = tpu.memref_slice %arg3[%add3A_155, %dma_start3A_158] : memref<16384x1000xf32, #tpu.memory_space<hbm>> -> memref<16x1000xf32, #tpu.memory_space<hbm>>
    tpu.enqueue_dma source(%arg6 : memref<16x1000xf32, #tpu.memory_space<vmem>>) target(%dma_start3A_159 : memref<16x1000xf32, #tpu.memory_space<hbm>>) target_semaphore(%arg10 : memref<!tpu.dma_semaphore, #tpu.memory_space<semaphore_mem>>)
    %dma_wait3A_160 = arith.constant 0 : i32
    %dma_wait3A_161 = tpu.memref_slice %arg3[%add3A_119, %dma_wait3A_160] : memref<16384x1000xf32, #tpu.memory_space<hbm>> -> memref<16x1000xf32, #tpu.memory_space<hbm>>
    %dma_wait3A_162 = arith.constant 0 : i32
    %dma_wait3A_163 = tpu.memref_slice %arg3[%add3A_119, %dma_wait3A_162] : memref<16384x1000xf32, #tpu.memory_space<hbm>> -> memref<16x1000xf32, #tpu.memory_space<hbm>>
    tpu.wait_dma2 semaphore(%arg11 : memref<!tpu.dma_semaphore, #tpu.memory_space<semaphore_mem>>) src(%arg7 : memref<16x1000xf32, #tpu.memory_space<vmem>>) dst(%dma_wait3A_163 : memref<16x1000xf32, #tpu.memory_space<hbm>>)
    tpu.vector_store_idx %arg7[%iota3A, %get3A_117], %broadcast_in_dim3A_3 : memref<16x1000xf32, #tpu.memory_space<vmem>>[vector<16xi32>, vector<16xi32>], vector<16xf32>,
    %get3A_164 = arith.constant 224 : index
    %get3A_165 = tpu.vector_load %arg4[%get3A_164] {strides = array<i32>} : memref<512xi32, #tpu.memory_space<vmem>>, vector<16xi32>,
    tpu.vector_store_idx %arg7[%iota3A, %get3A_165], %broadcast_in_dim3A_5 : memref<16x1000xf32, #tpu.memory_space<vmem>>[vector<16xi32>, vector<16xi32>], vector<16xf32>,
    %add3A_166 = arith.constant 224 : i32
    %add3A_167 = arith.addi %mul3A_2, %add3A_166 : i32
    %dma_start3A_168 = arith.constant 0 : i32
    %dma_start3A_169 = tpu.memref_slice %arg3[%add3A_167, %dma_start3A_168] : memref<16384x1000xf32, #tpu.memory_space<hbm>> -> memref<16x1000xf32, #tpu.memory_space<hbm>>
    %dma_start3A_170 = arith.constant 0 : i32
    %dma_start3A_171 = tpu.memref_slice %arg3[%add3A_167, %dma_start3A_170] : memref<16384x1000xf32, #tpu.memory_space<hbm>> -> memref<16x1000xf32, #tpu.memory_space<hbm>>
    tpu.enqueue_dma source(%arg7 : memref<16x1000xf32, #tpu.memory_space<vmem>>) target(%dma_start3A_171 : memref<16x1000xf32, #tpu.memory_space<hbm>>) target_semaphore(%arg11 : memref<!tpu.dma_semaphore, #tpu.memory_space<semaphore_mem>>)
    %dma_wait3A_172 = arith.constant 0 : i32
    %dma_wait3A_173 = tpu.memref_slice %arg3[%add3A_131, %dma_wait3A_172] : memref<16384x1000xf32, #tpu.memory_space<hbm>> -> memref<16x1000xf32, #tpu.memory_space<hbm>>
    %dma_wait3A_174 = arith.constant 0 : i32
    %dma_wait3A_175 = tpu.memref_slice %arg3[%add3A_131, %dma_wait3A_174] : memref<16384x1000xf32, #tpu.memory_space<hbm>> -> memref<16x1000xf32, #tpu.memory_space<hbm>>
    tpu.wait_dma2 semaphore(%arg12 : memref<!tpu.dma_semaphore, #tpu.memory_space<semaphore_mem>>) src(%arg8 : memref<16x1000xf32, #tpu.memory_space<vmem>>) dst(%dma_wait3A_175 : memref<16x1000xf32, #tpu.memory_space<hbm>>)
    tpu.vector_store_idx %arg8[%iota3A, %get3A_129], %broadcast_in_dim3A_3 : memref<16x1000xf32, #tpu.memory_space<vmem>>[vector<16xi32>, vector<16xi32>], vector<16xf32>,
    %get3A_176 = arith.constant 240 : index
    %get3A_177 = tpu.vector_load %arg4[%get3A_176] {strides = array<i32>} : memref<512xi32, #tpu.memory_space<vmem>>, vector<16xi32>,
    tpu.vector_store_idx %arg8[%iota3A, %get3A_177], %broadcast_in_dim3A_5 : memref<16x1000xf32, #tpu.memory_space<vmem>>[vector<16xi32>, vector<16xi32>], vector<16xf32>,
    %add3A_178 = arith.constant 240 : i32
    %add3A_179 = arith.addi %mul3A_2, %add3A_178 : i32
    %dma_start3A_180 = arith.constant 0 : i32
    %dma_start3A_181 = tpu.memref_slice %arg3[%add3A_179, %dma_start3A_180] : memref<16384x1000xf32, #tpu.memory_space<hbm>> -> memref<16x1000xf32, #tpu.memory_space<hbm>>
    %dma_start3A_182 = arith.constant 0 : i32
    %dma_start3A_183 = tpu.memref_slice %arg3[%add3A_179, %dma_start3A_182] : memref<16384x1000xf32, #tpu.memory_space<hbm>> -> memref<16x1000xf32, #tpu.memory_space<hbm>>
    tpu.enqueue_dma source(%arg8 : memref<16x1000xf32, #tpu.memory_space<vmem>>) target(%dma_start3A_183 : memref<16x1000xf32, #tpu.memory_space<hbm>>) target_semaphore(%arg12 : memref<!tpu.dma_semaphore, #tpu.memory_space<semaphore_mem>>)
    %dma_wait3A_184 = arith.constant 0 : i32
    %dma_wait3A_185 = tpu.memref_slice %arg3[%add3A_143, %dma_wait3A_184] : memref<16384x1000xf32, #tpu.memory_space<hbm>> -> memref<16x1000xf32, #tpu.memory_space<hbm>>
    %dma_wait3A_186 = arith.constant 0 : i32
    %dma_wait3A_187 = tpu.memref_slice %arg3[%add3A_143, %dma_wait3A_186] : memref<16384x1000xf32, #tpu.memory_space<hbm>> -> memref<16x1000xf32, #tpu.memory_space<hbm>>
    tpu.wait_dma2 semaphore(%arg9 : memref<!tpu.dma_semaphore, #tpu.memory_space<semaphore_mem>>) src(%arg5 : memref<16x1000xf32, #tpu.memory_space<vmem>>) dst(%dma_wait3A_187 : memref<16x1000xf32, #tpu.memory_space<hbm>>)
    tpu.vector_store_idx %arg5[%iota3A, %get3A_141], %broadcast_in_dim3A_3 : memref<16x1000xf32, #tpu.memory_space<vmem>>[vector<16xi32>, vector<16xi32>], vector<16xf32>,
    %get3A_188 = arith.constant 256 : index
    %get3A_189 = tpu.vector_load %arg4[%get3A_188] {strides = array<i32>} : memref<512xi32, #tpu.memory_space<vmem>>, vector<16xi32>,
    tpu.vector_store_idx %arg5[%iota3A, %get3A_189], %broadcast_in_dim3A_5 : memref<16x1000xf32, #tpu.memory_space<vmem>>[vector<16xi32>, vector<16xi32>], vector<16xf32>,
    %add3A_190 = arith.constant 256 : i32
    %add3A_191 = arith.addi %mul3A_2, %add3A_190 : i32
    %dma_start3A_192 = arith.constant 0 : i32
    %dma_start3A_193 = tpu.memref_slice %arg3[%add3A_191, %dma_start3A_192] : memref<16384x1000xf32, #tpu.memory_space<hbm>> -> memref<16x1000xf32, #tpu.memory_space<hbm>>
    %dma_start3A_194 = arith.constant 0 : i32
    %dma_start3A_195 = tpu.memref_slice %arg3[%add3A_191, %dma_start3A_194] : memref<16384x1000xf32, #tpu.memory_space<hbm>> -> memref<16x1000xf32, #tpu.memory_space<hbm>>
    tpu.enqueue_dma source(%arg5 : memref<16x1000xf32, #tpu.memory_space<vmem>>) target(%dma_start3A_195 : memref<16x1000xf32, #tpu.memory_space<hbm>>) target_semaphore(%arg9 : memref<!tpu.dma_semaphore, #tpu.memory_space<semaphore_mem>>)
    %dma_wait3A_196 = arith.constant 0 : i32
    %dma_wait3A_197 = tpu.memref_slice %arg3[%add3A_155, %dma_wait3A_196] : memref<16384x1000xf32, #tpu.memory_space<hbm>> -> memref<16x1000xf32, #tpu.memory_space<hbm>>
    %dma_wait3A_198 = arith.constant 0 : i32
    %dma_wait3A_199 = tpu.memref_slice %arg3[%add3A_155, %dma_wait3A_198] : memref<16384x1000xf32, #tpu.memory_space<hbm>> -> memref<16x1000xf32, #tpu.memory_space<hbm>>
    tpu.wait_dma2 semaphore(%arg10 : memref<!tpu.dma_semaphore, #tpu.memory_space<semaphore_mem>>) src(%arg6 : memref<16x1000xf32, #tpu.memory_space<vmem>>) dst(%dma_wait3A_199 : memref<16x1000xf32, #tpu.memory_space<hbm>>)
    tpu.vector_store_idx %arg6[%iota3A, %get3A_153], %broadcast_in_dim3A_3 : memref<16x1000xf32, #tpu.memory_space<vmem>>[vector<16xi32>, vector<16xi32>], vector<16xf32>,
    %get3A_200 = arith.constant 272 : index
    %get3A_201 = tpu.vector_load %arg4[%get3A_200] {strides = array<i32>} : memref<512xi32, #tpu.memory_space<vmem>>, vector<16xi32>,
    tpu.vector_store_idx %arg6[%iota3A, %get3A_201], %broadcast_in_dim3A_5 : memref<16x1000xf32, #tpu.memory_space<vmem>>[vector<16xi32>, vector<16xi32>], vector<16xf32>,
    %add3A_202 = arith.constant 272 : i32
    %add3A_203 = arith.addi %mul3A_2, %add3A_202 : i32
    %dma_start3A_204 = arith.constant 0 : i32
    %dma_start3A_205 = tpu.memref_slice %arg3[%add3A_203, %dma_start3A_204] : memref<16384x1000xf32, #tpu.memory_space<hbm>> -> memref<16x1000xf32, #tpu.memory_space<hbm>>
    %dma_start3A_206 = arith.constant 0 : i32
    %dma_start3A_207 = tpu.memref_slice %arg3[%add3A_203, %dma_start3A_206] : memref<16384x1000xf32, #tpu.memory_space<hbm>> -> memref<16x1000xf32, #tpu.memory_space<hbm>>
    tpu.enqueue_dma source(%arg6 : memref<16x1000xf32, #tpu.memory_space<vmem>>) target(%dma_start3A_207 : memref<16x1000xf32, #tpu.memory_space<hbm>>) target_semaphore(%arg10 : memref<!tpu.dma_semaphore, #tpu.memory_space<semaphore_mem>>)
    %dma_wait3A_208 = arith.constant 0 : i32
    %dma_wait3A_209 = tpu.memref_slice %arg3[%add3A_167, %dma_wait3A_208] : memref<16384x1000xf32, #tpu.memory_space<hbm>> -> memref<16x1000xf32, #tpu.memory_space<hbm>>
    %dma_wait3A_210 = arith.constant 0 : i32
    %dma_wait3A_211 = tpu.memref_slice %arg3[%add3A_167, %dma_wait3A_210] : memref<16384x1000xf32, #tpu.memory_space<hbm>> -> memref<16x1000xf32, #tpu.memory_space<hbm>>
    tpu.wait_dma2 semaphore(%arg11 : memref<!tpu.dma_semaphore, #tpu.memory_space<semaphore_mem>>) src(%arg7 : memref<16x1000xf32, #tpu.memory_space<vmem>>) dst(%dma_wait3A_211 : memref<16x1000xf32, #tpu.memory_space<hbm>>)
    tpu.vector_store_idx %arg7[%iota3A, %get3A_165], %broadcast_in_dim3A_3 : memref<16x1000xf32, #tpu.memory_space<vmem>>[vector<16xi32>, vector<16xi32>], vector<16xf32>,
    %get3A_212 = arith.constant 288 : index
    %get3A_213 = tpu.vector_load %arg4[%get3A_212] {strides = array<i32>} : memref<512xi32, #tpu.memory_space<vmem>>, vector<16xi32>,
    tpu.vector_store_idx %arg7[%iota3A, %get3A_213], %broadcast_in_dim3A_5 : memref<16x1000xf32, #tpu.memory_space<vmem>>[vector<16xi32>, vector<16xi32>], vector<16xf32>,
    %add3A_214 = arith.constant 288 : i32
    %add3A_215 = arith.addi %mul3A_2, %add3A_214 : i32
    %dma_start3A_216 = arith.constant 0 : i32
    %dma_start3A_217 = tpu.memref_slice %arg3[%add3A_215, %dma_start3A_216] : memref<16384x1000xf32, #tpu.memory_space<hbm>> -> memref<16x1000xf32, #tpu.memory_space<hbm>>
    %dma_start3A_218 = arith.constant 0 : i32
    %dma_start3A_219 = tpu.memref_slice %arg3[%add3A_215, %dma_start3A_218] : memref<16384x1000xf32, #tpu.memory_space<hbm>> -> memref<16x1000xf32, #tpu.memory_space<hbm>>
    tpu.enqueue_dma source(%arg7 : memref<16x1000xf32, #tpu.memory_space<vmem>>) target(%dma_start3A_219 : memref<16x1000xf32, #tpu.memory_space<hbm>>) target_semaphore(%arg11 : memref<!tpu.dma_semaphore, #tpu.memory_space<semaphore_mem>>)
    %dma_wait3A_220 = arith.constant 0 : i32
    %dma_wait3A_221 = tpu.memref_slice %arg3[%add3A_179, %dma_wait3A_220] : memref<16384x1000xf32, #tpu.memory_space<hbm>> -> memref<16x1000xf32, #tpu.memory_space<hbm>>
    %dma_wait3A_222 = arith.constant 0 : i32
    %dma_wait3A_223 = tpu.memref_slice %arg3[%add3A_179, %dma_wait3A_222] : memref<16384x1000xf32, #tpu.memory_space<hbm>> -> memref<16x1000xf32, #tpu.memory_space<hbm>>
    tpu.wait_dma2 semaphore(%arg12 : memref<!tpu.dma_semaphore, #tpu.memory_space<semaphore_mem>>) src(%arg8 : memref<16x1000xf32, #tpu.memory_space<vmem>>) dst(%dma_wait3A_223 : memref<16x1000xf32, #tpu.memory_space<hbm>>)
    tpu.vector_store_idx %arg8[%iota3A, %get3A_177], %broadcast_in_dim3A_3 : memref<16x1000xf32, #tpu.memory_space<vmem>>[vector<16xi32>, vector<16xi32>], vector<16xf32>,
    %get3A_224 = arith.constant 304 : index
    %get3A_225 = tpu.vector_load %arg4[%get3A_224] {strides = array<i32>} : memref<512xi32, #tpu.memory_space<vmem>>, vector<16xi32>,
    tpu.vector_store_idx %arg8[%iota3A, %get3A_225], %broadcast_in_dim3A_5 : memref<16x1000xf32, #tpu.memory_space<vmem>>[vector<16xi32>, vector<16xi32>], vector<16xf32>,
    %add3A_226 = arith.constant 304 : i32
    %add3A_227 = arith.addi %mul3A_2, %add3A_226 : i32
    %dma_start3A_228 = arith.constant 0 : i32
    %dma_start3A_229 = tpu.memref_slice %arg3[%add3A_227, %dma_start3A_228] : memref<16384x1000xf32, #tpu.memory_space<hbm>> -> memref<16x1000xf32, #tpu.memory_space<hbm>>
    %dma_start3A_230 = arith.constant 0 : i32
    %dma_start3A_231 = tpu.memref_slice %arg3[%add3A_227, %dma_start3A_230] : memref<16384x1000xf32, #tpu.memory_space<hbm>> -> memref<16x1000xf32, #tpu.memory_space<hbm>>
    tpu.enqueue_dma source(%arg8 : memref<16x1000xf32, #tpu.memory_space<vmem>>) target(%dma_start3A_231 : memref<16x1000xf32, #tpu.memory_space<hbm>>) target_semaphore(%arg12 : memref<!tpu.dma_semaphore, #tpu.memory_space<semaphore_mem>>)
    %dma_wait3A_232 = arith.constant 0 : i32
    %dma_wait3A_233 = tpu.memref_slice %arg3[%add3A_191, %dma_wait3A_232] : memref<16384x1000xf32, #tpu.memory_space<hbm>> -> memref<16x1000xf32, #tpu.memory_space<hbm>>
    %dma_wait3A_234 = arith.constant 0 : i32
    %dma_wait3A_235 = tpu.memref_slice %arg3[%add3A_191, %dma_wait3A_234] : memref<16384x1000xf32, #tpu.memory_space<hbm>> -> memref<16x1000xf32, #tpu.memory_space<hbm>>
    tpu.wait_dma2 semaphore(%arg9 : memref<!tpu.dma_semaphore, #tpu.memory_space<semaphore_mem>>) src(%arg5 : memref<16x1000xf32, #tpu.memory_space<vmem>>) dst(%dma_wait3A_235 : memref<16x1000xf32, #tpu.memory_space<hbm>>)
    tpu.vector_store_idx %arg5[%iota3A, %get3A_189], %broadcast_in_dim3A_3 : memref<16x1000xf32, #tpu.memory_space<vmem>>[vector<16xi32>, vector<16xi32>], vector<16xf32>,
    %get3A_236 = arith.constant 320 : index
    %get3A_237 = tpu.vector_load %arg4[%get3A_236] {strides = array<i32>} : memref<512xi32, #tpu.memory_space<vmem>>, vector<16xi32>,
    tpu.vector_store_idx %arg5[%iota3A, %get3A_237], %broadcast_in_dim3A_5 : memref<16x1000xf32, #tpu.memory_space<vmem>>[vector<16xi32>, vector<16xi32>], vector<16xf32>,
    %add3A_238 = arith.constant 320 : i32
    %add3A_239 = arith.addi %mul3A_2, %add3A_238 : i32
    %dma_start3A_240 = arith.constant 0 : i32
    %dma_start3A_241 = tpu.memref_slice %arg3[%add3A_239, %dma_start3A_240] : memref<16384x1000xf32, #tpu.memory_space<hbm>> -> memref<16x1000xf32, #tpu.memory_space<hbm>>
    %dma_start3A_242 = arith.constant 0 : i32
    %dma_start3A_243 = tpu.memref_slice %arg3[%add3A_239, %dma_start3A_242] : memref<16384x1000xf32, #tpu.memory_space<hbm>> -> memref<16x1000xf32, #tpu.memory_space<hbm>>
    tpu.enqueue_dma source(%arg5 : memref<16x1000xf32, #tpu.memory_space<vmem>>) target(%dma_start3A_243 : memref<16x1000xf32, #tpu.memory_space<hbm>>) target_semaphore(%arg9 : memref<!tpu.dma_semaphore, #tpu.memory_space<semaphore_mem>>)
    %dma_wait3A_244 = arith.constant 0 : i32
    %dma_wait3A_245 = tpu.memref_slice %arg3[%add3A_203, %dma_wait3A_244] : memref<16384x1000xf32, #tpu.memory_space<hbm>> -> memref<16x1000xf32, #tpu.memory_space<hbm>>
    %dma_wait3A_246 = arith.constant 0 : i32
    %dma_wait3A_247 = tpu.memref_slice %arg3[%add3A_203, %dma_wait3A_246] : memref<16384x1000xf32, #tpu.memory_space<hbm>> -> memref<16x1000xf32, #tpu.memory_space<hbm>>
    tpu.wait_dma2 semaphore(%arg10 : memref<!tpu.dma_semaphore, #tpu.memory_space<semaphore_mem>>) src(%arg6 : memref<16x1000xf32, #tpu.memory_space<vmem>>) dst(%dma_wait3A_247 : memref<16x1000xf32, #tpu.memory_space<hbm>>)
    tpu.vector_store_idx %arg6[%iota3A, %get3A_201], %broadcast_in_dim3A_3 : memref<16x1000xf32, #tpu.memory_space<vmem>>[vector<16xi32>, vector<16xi32>], vector<16xf32>,
    %get3A_248 = arith.constant 336 : index
    %get3A_249 = tpu.vector_load %arg4[%get3A_248] {strides = array<i32>} : memref<512xi32, #tpu.memory_space<vmem>>, vector<16xi32>,
    tpu.vector_store_idx %arg6[%iota3A, %get3A_249], %broadcast_in_dim3A_5 : memref<16x1000xf32, #tpu.memory_space<vmem>>[vector<16xi32>, vector<16xi32>], vector<16xf32>,
    %add3A_250 = arith.constant 336 : i32
    %add3A_251 = arith.addi %mul3A_2, %add3A_250 : i32
    %dma_start3A_252 = arith.constant 0 : i32
    %dma_start3A_253 = tpu.memref_slice %arg3[%add3A_251, %dma_start3A_252] : memref<16384x1000xf32, #tpu.memory_space<hbm>> -> memref<16x1000xf32, #tpu.memory_space<hbm>>
    %dma_start3A_254 = arith.constant 0 : i32
    %dma_start3A_255 = tpu.memref_slice %arg3[%add3A_251, %dma_start3A_254] : memref<16384x1000xf32, #tpu.memory_space<hbm>> -> memref<16x1000xf32, #tpu.memory_space<hbm>>
    tpu.enqueue_dma source(%arg6 : memref<16x1000xf32, #tpu.memory_space<vmem>>) target(%dma_start3A_255 : memref<16x1000xf32, #tpu.memory_space<hbm>>) target_semaphore(%arg10 : memref<!tpu.dma_semaphore, #tpu.memory_space<semaphore_mem>>)
    %dma_wait3A_256 = arith.constant 0 : i32
    %dma_wait3A_257 = tpu.memref_slice %arg3[%add3A_215, %dma_wait3A_256] : memref<16384x1000xf32, #tpu.memory_space<hbm>> -> memref<16x1000xf32, #tpu.memory_space<hbm>>
    %dma_wait3A_258 = arith.constant 0 : i32
    %dma_wait3A_259 = tpu.memref_slice %arg3[%add3A_215, %dma_wait3A_258] : memref<16384x1000xf32, #tpu.memory_space<hbm>> -> memref<16x1000xf32, #tpu.memory_space<hbm>>
    tpu.wait_dma2 semaphore(%arg11 : memref<!tpu.dma_semaphore, #tpu.memory_space<semaphore_mem>>) src(%arg7 : memref<16x1000xf32, #tpu.memory_space<vmem>>) dst(%dma_wait3A_259 : memref<16x1000xf32, #tpu.memory_space<hbm>>)
    tpu.vector_store_idx %arg7[%iota3A, %get3A_213], %broadcast_in_dim3A_3 : memref<16x1000xf32, #tpu.memory_space<vmem>>[vector<16xi32>, vector<16xi32>], vector<16xf32>,
    %get3A_260 = arith.constant 352 : index
    %get3A_261 = tpu.vector_load %arg4[%get3A_260] {strides = array<i32>} : memref<512xi32, #tpu.memory_space<vmem>>, vector<16xi32>,
    tpu.vector_store_idx %arg7[%iota3A, %get3A_261], %broadcast_in_dim3A_5 : memref<16x1000xf32, #tpu.memory_space<vmem>>[vector<16xi32>, vector<16xi32>], vector<16xf32>,
    %add3A_262 = arith.constant 352 : i32
    %add3A_263 = arith.addi %mul3A_2, %add3A_262 : i32
    %dma_start3A_264 = arith.constant 0 : i32
    %dma_start3A_265 = tpu.memref_slice %arg3[%add3A_263, %dma_start3A_264] : memref<16384x1000xf32, #tpu.memory_space<hbm>> -> memref<16x1000xf32, #tpu.memory_space<hbm>>
    %dma_start3A_266 = arith.constant 0 : i32
    %dma_start3A_267 = tpu.memref_slice %arg3[%add3A_263, %dma_start3A_266] : memref<16384x1000xf32, #tpu.memory_space<hbm>> -> memref<16x1000xf32, #tpu.memory_space<hbm>>
    tpu.enqueue_dma source(%arg7 : memref<16x1000xf32, #tpu.memory_space<vmem>>) target(%dma_start3A_267 : memref<16x1000xf32, #tpu.memory_space<hbm>>) target_semaphore(%arg11 : memref<!tpu.dma_semaphore, #tpu.memory_space<semaphore_mem>>)
    %dma_wait3A_268 = arith.constant 0 : i32
    %dma_wait3A_269 = tpu.memref_slice %arg3[%add3A_227, %dma_wait3A_268] : memref<16384x1000xf32, #tpu.memory_space<hbm>> -> memref<16x1000xf32, #tpu.memory_space<hbm>>
    %dma_wait3A_270 = arith.constant 0 : i32
    %dma_wait3A_271 = tpu.memref_slice %arg3[%add3A_227, %dma_wait3A_270] : memref<16384x1000xf32, #tpu.memory_space<hbm>> -> memref<16x1000xf32, #tpu.memory_space<hbm>>
    tpu.wait_dma2 semaphore(%arg12 : memref<!tpu.dma_semaphore, #tpu.memory_space<semaphore_mem>>) src(%arg8 : memref<16x1000xf32, #tpu.memory_space<vmem>>) dst(%dma_wait3A_271 : memref<16x1000xf32, #tpu.memory_space<hbm>>)
    tpu.vector_store_idx %arg8[%iota3A, %get3A_225], %broadcast_in_dim3A_3 : memref<16x1000xf32, #tpu.memory_space<vmem>>[vector<16xi32>, vector<16xi32>], vector<16xf32>,
    %get3A_272 = arith.constant 368 : index
    %get3A_273 = tpu.vector_load %arg4[%get3A_272] {strides = array<i32>} : memref<512xi32, #tpu.memory_space<vmem>>, vector<16xi32>,
    tpu.vector_store_idx %arg8[%iota3A, %get3A_273], %broadcast_in_dim3A_5 : memref<16x1000xf32, #tpu.memory_space<vmem>>[vector<16xi32>, vector<16xi32>], vector<16xf32>,
    %add3A_274 = arith.constant 368 : i32
    %add3A_275 = arith.addi %mul3A_2, %add3A_274 : i32
    %dma_start3A_276 = arith.constant 0 : i32
    %dma_start3A_277 = tpu.memref_slice %arg3[%add3A_275, %dma_start3A_276] : memref<16384x1000xf32, #tpu.memory_space<hbm>> -> memref<16x1000xf32, #tpu.memory_space<hbm>>
    %dma_start3A_278 = arith.constant 0 : i32
    %dma_start3A_279 = tpu.memref_slice %arg3[%add3A_275, %dma_start3A_278] : memref<16384x1000xf32, #tpu.memory_space<hbm>> -> memref<16x1000xf32, #tpu.memory_space<hbm>>
    tpu.enqueue_dma source(%arg8 : memref<16x1000xf32, #tpu.memory_space<vmem>>) target(%dma_start3A_279 : memref<16x1000xf32, #tpu.memory_space<hbm>>) target_semaphore(%arg12 : memref<!tpu.dma_semaphore, #tpu.memory_space<semaphore_mem>>)
    %dma_wait3A_280 = arith.constant 0 : i32
    %dma_wait3A_281 = tpu.memref_slice %arg3[%add3A_239, %dma_wait3A_280] : memref<16384x1000xf32, #tpu.memory_space<hbm>> -> memref<16x1000xf32, #tpu.memory_space<hbm>>
    %dma_wait3A_282 = arith.constant 0 : i32
    %dma_wait3A_283 = tpu.memref_slice %arg3[%add3A_239, %dma_wait3A_282] : memref<16384x1000xf32, #tpu.memory_space<hbm>> -> memref<16x1000xf32, #tpu.memory_space<hbm>>
    tpu.wait_dma2 semaphore(%arg9 : memref<!tpu.dma_semaphore, #tpu.memory_space<semaphore_mem>>) src(%arg5 : memref<16x1000xf32, #tpu.memory_space<vmem>>) dst(%dma_wait3A_283 : memref<16x1000xf32, #tpu.memory_space<hbm>>)
    tpu.vector_store_idx %arg5[%iota3A, %get3A_237], %broadcast_in_dim3A_3 : memref<16x1000xf32, #tpu.memory_space<vmem>>[vector<16xi32>, vector<16xi32>], vector<16xf32>,
    %get3A_284 = arith.constant 384 : index
    %get3A_285 = tpu.vector_load %arg4[%get3A_284] {strides = array<i32>} : memref<512xi32, #tpu.memory_space<vmem>>, vector<16xi32>,
    tpu.vector_store_idx %arg5[%iota3A, %get3A_285], %broadcast_in_dim3A_5 : memref<16x1000xf32, #tpu.memory_space<vmem>>[vector<16xi32>, vector<16xi32>], vector<16xf32>,
    %add3A_286 = arith.constant 384 : i32
    %add3A_287 = arith.addi %mul3A_2, %add3A_286 : i32
    %dma_start3A_288 = arith.constant 0 : i32
    %dma_start3A_289 = tpu.memref_slice %arg3[%add3A_287, %dma_start3A_288] : memref<16384x1000xf32, #tpu.memory_space<hbm>> -> memref<16x1000xf32, #tpu.memory_space<hbm>>
    %dma_start3A_290 = arith.constant 0 : i32
    %dma_start3A_291 = tpu.memref_slice %arg3[%add3A_287, %dma_start3A_290] : memref<16384x1000xf32, #tpu.memory_space<hbm>> -> memref<16x1000xf32, #tpu.memory_space<hbm>>
    tpu.enqueue_dma source(%arg5 : memref<16x1000xf32, #tpu.memory_space<vmem>>) target(%dma_start3A_291 : memref<16x1000xf32, #tpu.memory_space<hbm>>) target_semaphore(%arg9 : memref<!tpu.dma_semaphore, #tpu.memory_space<semaphore_mem>>)
    %dma_wait3A_292 = arith.constant 0 : i32
    %dma_wait3A_293 = tpu.memref_slice %arg3[%add3A_251, %dma_wait3A_292] : memref<16384x1000xf32, #tpu.memory_space<hbm>> -> memref<16x1000xf32, #tpu.memory_space<hbm>>
    %dma_wait3A_294 = arith.constant 0 : i32
    %dma_wait3A_295 = tpu.memref_slice %arg3[%add3A_251, %dma_wait3A_294] : memref<16384x1000xf32, #tpu.memory_space<hbm>> -> memref<16x1000xf32, #tpu.memory_space<hbm>>
    tpu.wait_dma2 semaphore(%arg10 : memref<!tpu.dma_semaphore, #tpu.memory_space<semaphore_mem>>) src(%arg6 : memref<16x1000xf32, #tpu.memory_space<vmem>>) dst(%dma_wait3A_295 : memref<16x1000xf32, #tpu.memory_space<hbm>>)
    tpu.vector_store_idx %arg6[%iota3A, %get3A_249], %broadcast_in_dim3A_3 : memref<16x1000xf32, #tpu.memory_space<vmem>>[vector<16xi32>, vector<16xi32>], vector<16xf32>,
    %get3A_296 = arith.constant 400 : index
    %get3A_297 = tpu.vector_load %arg4[%get3A_296] {strides = array<i32>} : memref<512xi32, #tpu.memory_space<vmem>>, vector<16xi32>,
    tpu.vector_store_idx %arg6[%iota3A, %get3A_297], %broadcast_in_dim3A_5 : memref<16x1000xf32, #tpu.memory_space<vmem>>[vector<16xi32>, vector<16xi32>], vector<16xf32>,
    %add3A_298 = arith.constant 400 : i32
    %add3A_299 = arith.addi %mul3A_2, %add3A_298 : i32
    %dma_start3A_300 = arith.constant 0 : i32
    %dma_start3A_301 = tpu.memref_slice %arg3[%add3A_299, %dma_start3A_300] : memref<16384x1000xf32, #tpu.memory_space<hbm>> -> memref<16x1000xf32, #tpu.memory_space<hbm>>
    %dma_start3A_302 = arith.constant 0 : i32
    %dma_start3A_303 = tpu.memref_slice %arg3[%add3A_299, %dma_start3A_302] : memref<16384x1000xf32, #tpu.memory_space<hbm>> -> memref<16x1000xf32, #tpu.memory_space<hbm>>
    tpu.enqueue_dma source(%arg6 : memref<16x1000xf32, #tpu.memory_space<vmem>>) target(%dma_start3A_303 : memref<16x1000xf32, #tpu.memory_space<hbm>>) target_semaphore(%arg10 : memref<!tpu.dma_semaphore, #tpu.memory_space<semaphore_mem>>)
    %dma_wait3A_304 = arith.constant 0 : i32
    %dma_wait3A_305 = tpu.memref_slice %arg3[%add3A_263, %dma_wait3A_304] : memref<16384x1000xf32, #tpu.memory_space<hbm>> -> memref<16x1000xf32, #tpu.memory_space<hbm>>
    %dma_wait3A_306 = arith.constant 0 : i32
    %dma_wait3A_307 = tpu.memref_slice %arg3[%add3A_263, %dma_wait3A_306] : memref<16384x1000xf32, #tpu.memory_space<hbm>> -> memref<16x1000xf32, #tpu.memory_space<hbm>>
    tpu.wait_dma2 semaphore(%arg11 : memref<!tpu.dma_semaphore, #tpu.memory_space<semaphore_mem>>) src(%arg7 : memref<16x1000xf32, #tpu.memory_space<vmem>>) dst(%dma_wait3A_307 : memref<16x1000xf32, #tpu.memory_space<hbm>>)
    tpu.vector_store_idx %arg7[%iota3A, %get3A_261], %broadcast_in_dim3A_3 : memref<16x1000xf32, #tpu.memory_space<vmem>>[vector<16xi32>, vector<16xi32>], vector<16xf32>,
    %get3A_308 = arith.constant 416 : index
    %get3A_309 = tpu.vector_load %arg4[%get3A_308] {strides = array<i32>} : memref<512xi32, #tpu.memory_space<vmem>>, vector<16xi32>,
    tpu.vector_store_idx %arg7[%iota3A, %get3A_309], %broadcast_in_dim3A_5 : memref<16x1000xf32, #tpu.memory_space<vmem>>[vector<16xi32>, vector<16xi32>], vector<16xf32>,
    %add3A_310 = arith.constant 416 : i32
    %add3A_311 = arith.addi %mul3A_2, %add3A_310 : i32
    %dma_start3A_312 = arith.constant 0 : i32
    %dma_start3A_313 = tpu.memref_slice %arg3[%add3A_311, %dma_start3A_312] : memref<16384x1000xf32, #tpu.memory_space<hbm>> -> memref<16x1000xf32, #tpu.memory_space<hbm>>
    %dma_start3A_314 = arith.constant 0 : i32
    %dma_start3A_315 = tpu.memref_slice %arg3[%add3A_311, %dma_start3A_314] : memref<16384x1000xf32, #tpu.memory_space<hbm>> -> memref<16x1000xf32, #tpu.memory_space<hbm>>
    tpu.enqueue_dma source(%arg7 : memref<16x1000xf32, #tpu.memory_space<vmem>>) target(%dma_start3A_315 : memref<16x1000xf32, #tpu.memory_space<hbm>>) target_semaphore(%arg11 : memref<!tpu.dma_semaphore, #tpu.memory_space<semaphore_mem>>)
    %dma_wait3A_316 = arith.constant 0 : i32
    %dma_wait3A_317 = tpu.memref_slice %arg3[%add3A_275, %dma_wait3A_316] : memref<16384x1000xf32, #tpu.memory_space<hbm>> -> memref<16x1000xf32, #tpu.memory_space<hbm>>
    %dma_wait3A_318 = arith.constant 0 : i32
    %dma_wait3A_319 = tpu.memref_slice %arg3[%add3A_275, %dma_wait3A_318] : memref<16384x1000xf32, #tpu.memory_space<hbm>> -> memref<16x1000xf32, #tpu.memory_space<hbm>>
    tpu.wait_dma2 semaphore(%arg12 : memref<!tpu.dma_semaphore, #tpu.memory_space<semaphore_mem>>) src(%arg8 : memref<16x1000xf32, #tpu.memory_space<vmem>>) dst(%dma_wait3A_319 : memref<16x1000xf32, #tpu.memory_space<hbm>>)
    tpu.vector_store_idx %arg8[%iota3A, %get3A_273], %broadcast_in_dim3A_3 : memref<16x1000xf32, #tpu.memory_space<vmem>>[vector<16xi32>, vector<16xi32>], vector<16xf32>,
    %get3A_320 = arith.constant 432 : index
    %get3A_321 = tpu.vector_load %arg4[%get3A_320] {strides = array<i32>} : memref<512xi32, #tpu.memory_space<vmem>>, vector<16xi32>,
    tpu.vector_store_idx %arg8[%iota3A, %get3A_321], %broadcast_in_dim3A_5 : memref<16x1000xf32, #tpu.memory_space<vmem>>[vector<16xi32>, vector<16xi32>], vector<16xf32>,
    %add3A_322 = arith.constant 432 : i32
    %add3A_323 = arith.addi %mul3A_2, %add3A_322 : i32
    %dma_start3A_324 = arith.constant 0 : i32
    %dma_start3A_325 = tpu.memref_slice %arg3[%add3A_323, %dma_start3A_324] : memref<16384x1000xf32, #tpu.memory_space<hbm>> -> memref<16x1000xf32, #tpu.memory_space<hbm>>
    %dma_start3A_326 = arith.constant 0 : i32
    %dma_start3A_327 = tpu.memref_slice %arg3[%add3A_323, %dma_start3A_326] : memref<16384x1000xf32, #tpu.memory_space<hbm>> -> memref<16x1000xf32, #tpu.memory_space<hbm>>
    tpu.enqueue_dma source(%arg8 : memref<16x1000xf32, #tpu.memory_space<vmem>>) target(%dma_start3A_327 : memref<16x1000xf32, #tpu.memory_space<hbm>>) target_semaphore(%arg12 : memref<!tpu.dma_semaphore, #tpu.memory_space<semaphore_mem>>)
    %dma_wait3A_328 = arith.constant 0 : i32
    %dma_wait3A_329 = tpu.memref_slice %arg3[%add3A_287, %dma_wait3A_328] : memref<16384x1000xf32, #tpu.memory_space<hbm>> -> memref<16x1000xf32, #tpu.memory_space<hbm>>
    %dma_wait3A_330 = arith.constant 0 : i32
    %dma_wait3A_331 = tpu.memref_slice %arg3[%add3A_287, %dma_wait3A_330] : memref<16384x1000xf32, #tpu.memory_space<hbm>> -> memref<16x1000xf32, #tpu.memory_space<hbm>>
    tpu.wait_dma2 semaphore(%arg9 : memref<!tpu.dma_semaphore, #tpu.memory_space<semaphore_mem>>) src(%arg5 : memref<16x1000xf32, #tpu.memory_space<vmem>>) dst(%dma_wait3A_331 : memref<16x1000xf32, #tpu.memory_space<hbm>>)
    tpu.vector_store_idx %arg5[%iota3A, %get3A_285], %broadcast_in_dim3A_3 : memref<16x1000xf32, #tpu.memory_space<vmem>>[vector<16xi32>, vector<16xi32>], vector<16xf32>,
    %get3A_332 = arith.constant 448 : index
    %get3A_333 = tpu.vector_load %arg4[%get3A_332] {strides = array<i32>} : memref<512xi32, #tpu.memory_space<vmem>>, vector<16xi32>,
    tpu.vector_store_idx %arg5[%iota3A, %get3A_333], %broadcast_in_dim3A_5 : memref<16x1000xf32, #tpu.memory_space<vmem>>[vector<16xi32>, vector<16xi32>], vector<16xf32>,
    %add3A_334 = arith.constant 448 : i32
    %add3A_335 = arith.addi %mul3A_2, %add3A_334 : i32
    %dma_start3A_336 = arith.constant 0 : i32
    %dma_start3A_337 = tpu.memref_slice %arg3[%add3A_335, %dma_start3A_336] : memref<16384x1000xf32, #tpu.memory_space<hbm>> -> memref<16x1000xf32, #tpu.memory_space<hbm>>
    %dma_start3A_338 = arith.constant 0 : i32
    %dma_start3A_339 = tpu.memref_slice %arg3[%add3A_335, %dma_start3A_338] : memref<16384x1000xf32, #tpu.memory_space<hbm>> -> memref<16x1000xf32, #tpu.memory_space<hbm>>
    tpu.enqueue_dma source(%arg5 : memref<16x1000xf32, #tpu.memory_space<vmem>>) target(%dma_start3A_339 : memref<16x1000xf32, #tpu.memory_space<hbm>>) target_semaphore(%arg9 : memref<!tpu.dma_semaphore, #tpu.memory_space<semaphore_mem>>)
    %dma_wait3A_340 = arith.constant 0 : i32
    %dma_wait3A_341 = tpu.memref_slice %arg3[%add3A_299, %dma_wait3A_340] : memref<16384x1000xf32, #tpu.memory_space<hbm>> -> memref<16x1000xf32, #tpu.memory_space<hbm>>
    %dma_wait3A_342 = arith.constant 0 : i32
    %dma_wait3A_343 = tpu.memref_slice %arg3[%add3A_299, %dma_wait3A_342] : memref<16384x1000xf32, #tpu.memory_space<hbm>> -> memref<16x1000xf32, #tpu.memory_space<hbm>>
    tpu.wait_dma2 semaphore(%arg10 : memref<!tpu.dma_semaphore, #tpu.memory_space<semaphore_mem>>) src(%arg6 : memref<16x1000xf32, #tpu.memory_space<vmem>>) dst(%dma_wait3A_343 : memref<16x1000xf32, #tpu.memory_space<hbm>>)
    tpu.vector_store_idx %arg6[%iota3A, %get3A_297], %broadcast_in_dim3A_3 : memref<16x1000xf32, #tpu.memory_space<vmem>>[vector<16xi32>, vector<16xi32>], vector<16xf32>,
    %get3A_344 = arith.constant 464 : index
    %get3A_345 = tpu.vector_load %arg4[%get3A_344] {strides = array<i32>} : memref<512xi32, #tpu.memory_space<vmem>>, vector<16xi32>,
    tpu.vector_store_idx %arg6[%iota3A, %get3A_345], %broadcast_in_dim3A_5 : memref<16x1000xf32, #tpu.memory_space<vmem>>[vector<16xi32>, vector<16xi32>], vector<16xf32>,
    %add3A_346 = arith.constant 464 : i32
    %add3A_347 = arith.addi %mul3A_2, %add3A_346 : i32
    %dma_start3A_348 = arith.constant 0 : i32
    %dma_start3A_349 = tpu.memref_slice %arg3[%add3A_347, %dma_start3A_348] : memref<16384x1000xf32, #tpu.memory_space<hbm>> -> memref<16x1000xf32, #tpu.memory_space<hbm>>
    %dma_start3A_350 = arith.constant 0 : i32
    %dma_start3A_351 = tpu.memref_slice %arg3[%add3A_347, %dma_start3A_350] : memref<16384x1000xf32, #tpu.memory_space<hbm>> -> memref<16x1000xf32, #tpu.memory_space<hbm>>
    tpu.enqueue_dma source(%arg6 : memref<16x1000xf32, #tpu.memory_space<vmem>>) target(%dma_start3A_351 : memref<16x1000xf32, #tpu.memory_space<hbm>>) target_semaphore(%arg10 : memref<!tpu.dma_semaphore, #tpu.memory_space<semaphore_mem>>)
    %dma_wait3A_352 = arith.constant 0 : i32
    %dma_wait3A_353 = tpu.memref_slice %arg3[%add3A_311, %dma_wait3A_352] : memref<16384x1000xf32, #tpu.memory_space<hbm>> -> memref<16x1000xf32, #tpu.memory_space<hbm>>
    %dma_wait3A_354 = arith.constant 0 : i32
    %dma_wait3A_355 = tpu.memref_slice %arg3[%add3A_311, %dma_wait3A_354] : memref<16384x1000xf32, #tpu.memory_space<hbm>> -> memref<16x1000xf32, #tpu.memory_space<hbm>>
    tpu.wait_dma2 semaphore(%arg11 : memref<!tpu.dma_semaphore, #tpu.memory_space<semaphore_mem>>) src(%arg7 : memref<16x1000xf32, #tpu.memory_space<vmem>>) dst(%dma_wait3A_355 : memref<16x1000xf32, #tpu.memory_space<hbm>>)
    tpu.vector_store_idx %arg7[%iota3A, %get3A_309], %broadcast_in_dim3A_3 : memref<16x1000xf32, #tpu.memory_space<vmem>>[vector<16xi32>, vector<16xi32>], vector<16xf32>,
    %get3A_356 = arith.constant 480 : index
    %get3A_357 = tpu.vector_load %arg4[%get3A_356] {strides = array<i32>} : memref<512xi32, #tpu.memory_space<vmem>>, vector<16xi32>,
    tpu.vector_store_idx %arg7[%iota3A, %get3A_357], %broadcast_in_dim3A_5 : memref<16x1000xf32, #tpu.memory_space<vmem>>[vector<16xi32>, vector<16xi32>], vector<16xf32>,
    %add3A_358 = arith.constant 480 : i32
    %add3A_359 = arith.addi %mul3A_2, %add3A_358 : i32
    %dma_start3A_360 = arith.constant 0 : i32
    %dma_start3A_361 = tpu.memref_slice %arg3[%add3A_359, %dma_start3A_360] : memref<16384x1000xf32, #tpu.memory_space<hbm>> -> memref<16x1000xf32, #tpu.memory_space<hbm>>
    %dma_start3A_362 = arith.constant 0 : i32
    %dma_start3A_363 = tpu.memref_slice %arg3[%add3A_359, %dma_start3A_362] : memref<16384x1000xf32, #tpu.memory_space<hbm>> -> memref<16x1000xf32, #tpu.memory_space<hbm>>
    tpu.enqueue_dma source(%arg7 : memref<16x1000xf32, #tpu.memory_space<vmem>>) target(%dma_start3A_363 : memref<16x1000xf32, #tpu.memory_space<hbm>>) target_semaphore(%arg11 : memref<!tpu.dma_semaphore, #tpu.memory_space<semaphore_mem>>)
    %dma_wait3A_364 = arith.constant 0 : i32
    %dma_wait3A_365 = tpu.memref_slice %arg3[%add3A_323, %dma_wait3A_364] : memref<16384x1000xf32, #tpu.memory_space<hbm>> -> memref<16x1000xf32, #tpu.memory_space<hbm>>
    %dma_wait3A_366 = arith.constant 0 : i32
    %dma_wait3A_367 = tpu.memref_slice %arg3[%add3A_323, %dma_wait3A_366] : memref<16384x1000xf32, #tpu.memory_space<hbm>> -> memref<16x1000xf32, #tpu.memory_space<hbm>>
    tpu.wait_dma2 semaphore(%arg12 : memref<!tpu.dma_semaphore, #tpu.memory_space<semaphore_mem>>) src(%arg8 : memref<16x1000xf32, #tpu.memory_space<vmem>>) dst(%dma_wait3A_367 : memref<16x1000xf32, #tpu.memory_space<hbm>>)
    tpu.vector_store_idx %arg8[%iota3A, %get3A_321], %broadcast_in_dim3A_3 : memref<16x1000xf32, #tpu.memory_space<vmem>>[vector<16xi32>, vector<16xi32>], vector<16xf32>,
    %get3A_368 = arith.constant 496 : index
    %get3A_369 = tpu.vector_load %arg4[%get3A_368] {strides = array<i32>} : memref<512xi32, #tpu.memory_space<vmem>>, vector<16xi32>,
    tpu.vector_store_idx %arg8[%iota3A, %get3A_369], %broadcast_in_dim3A_5 : memref<16x1000xf32, #tpu.memory_space<vmem>>[vector<16xi32>, vector<16xi32>], vector<16xf32>,
    %add3A_370 = arith.constant 496 : i32
    %add3A_371 = arith.addi %mul3A_2, %add3A_370 : i32
    %dma_start3A_372 = arith.constant 0 : i32
    %dma_start3A_373 = tpu.memref_slice %arg3[%add3A_371, %dma_start3A_372] : memref<16384x1000xf32, #tpu.memory_space<hbm>> -> memref<16x1000xf32, #tpu.memory_space<hbm>>
    %dma_start3A_374 = arith.constant 0 : i32
    %dma_start3A_375 = tpu.memref_slice %arg3[%add3A_371, %dma_start3A_374] : memref<16384x1000xf32, #tpu.memory_space<hbm>> -> memref<16x1000xf32, #tpu.memory_space<hbm>>
    tpu.enqueue_dma source(%arg8 : memref<16x1000xf32, #tpu.memory_space<vmem>>) target(%dma_start3A_375 : memref<16x1000xf32, #tpu.memory_space<hbm>>) target_semaphore(%arg12 : memref<!tpu.dma_semaphore, #tpu.memory_space<semaphore_mem>>)
    %dma_wait3A_376 = arith.constant 0 : i32
    %dma_wait3A_377 = tpu.memref_slice %arg3[%add3A_335, %dma_wait3A_376] : memref<16384x1000xf32, #tpu.memory_space<hbm>> -> memref<16x1000xf32, #tpu.memory_space<hbm>>
    %dma_wait3A_378 = arith.constant 0 : i32
    %dma_wait3A_379 = tpu.memref_slice %arg3[%add3A_335, %dma_wait3A_378] : memref<16384x1000xf32, #tpu.memory_space<hbm>> -> memref<16x1000xf32, #tpu.memory_space<hbm>>
    tpu.wait_dma2 semaphore(%arg9 : memref<!tpu.dma_semaphore, #tpu.memory_space<semaphore_mem>>) src(%arg5 : memref<16x1000xf32, #tpu.memory_space<vmem>>) dst(%dma_wait3A_379 : memref<16x1000xf32, #tpu.memory_space<hbm>>)
    %dma_wait3A_380 = arith.constant 0 : i32
    %dma_wait3A_381 = tpu.memref_slice %arg3[%add3A_347, %dma_wait3A_380] : memref<16384x1000xf32, #tpu.memory_space<hbm>> -> memref<16x1000xf32, #tpu.memory_space<hbm>>
    %dma_wait3A_382 = arith.constant 0 : i32
    %dma_wait3A_383 = tpu.memref_slice %arg3[%add3A_347, %dma_wait3A_382] : memref<16384x1000xf32, #tpu.memory_space<hbm>> -> memref<16x1000xf32, #tpu.memory_space<hbm>>
    tpu.wait_dma2 semaphore(%arg10 : memref<!tpu.dma_semaphore, #tpu.memory_space<semaphore_mem>>) src(%arg6 : memref<16x1000xf32, #tpu.memory_space<vmem>>) dst(%dma_wait3A_383 : memref<16x1000xf32, #tpu.memory_space<hbm>>)
    %dma_wait3A_384 = arith.constant 0 : i32
    %dma_wait3A_385 = tpu.memref_slice %arg3[%add3A_359, %dma_wait3A_384] : memref<16384x1000xf32, #tpu.memory_space<hbm>> -> memref<16x1000xf32, #tpu.memory_space<hbm>>
    %dma_wait3A_386 = arith.constant 0 : i32
    %dma_wait3A_387 = tpu.memref_slice %arg3[%add3A_359, %dma_wait3A_386] : memref<16384x1000xf32, #tpu.memory_space<hbm>> -> memref<16x1000xf32, #tpu.memory_space<hbm>>
    tpu.wait_dma2 semaphore(%arg11 : memref<!tpu.dma_semaphore, #tpu.memory_space<semaphore_mem>>) src(%arg7 : memref<16x1000xf32, #tpu.memory_space<vmem>>) dst(%dma_wait3A_387 : memref<16x1000xf32, #tpu.memory_space<hbm>>)
    %dma_wait3A_388 = arith.constant 0 : i32
    %dma_wait3A_389 = tpu.memref_slice %arg3[%add3A_371, %dma_wait3A_388] : memref<16384x1000xf32, #tpu.memory_space<hbm>> -> memref<16x1000xf32, #tpu.memory_space<hbm>>
    %dma_wait3A_390 = arith.constant 0 : i32
    %dma_wait3A_391 = tpu.memref_slice %arg3[%add3A_371, %dma_wait3A_390] : memref<16384x1000xf32, #tpu.memory_space<hbm>> -> memref<16x1000xf32, #tpu.memory_space<hbm>>
    tpu.wait_dma2 semaphore(%arg12 : memref<!tpu.dma_semaphore, #tpu.memory_space<semaphore_mem>>) src(%arg8 : memref<16x1000xf32, #tpu.memory_space<vmem>>) dst(%dma_wait3A_391 : memref<16x1000xf32, #tpu.memory_space<hbm>>)
    return
  }
}

</mosaic_0001>

<sc_bundles>
// kernel: kernel.3.cloned.1.call-start
scs
__scs_entry_jumppad:
0x0: {  	(pc) =	sbr.rel $0x88, $3  }
0x1: {  	(tag) =	ssettag $0x0;
	lr =	simm.s32 $0x1  }
0x2: {  	[smem:$0x3FA0] =	sst lr;
	_ =	strace $0xD0000000  }
0x3: {  	_ = 	snop  }
0x4: {  	_ = 	snop  }
0x5: {  	_ = 	snop  }
0x6: {  	_ = 	snop  }
0x7: {  	_ = 	snop  }
__scs_overlays_trampoline_lowered:
0x8: {  	[smem:$0x3FAF] =	sst s0  }
0x9: {  	[smem:$0x3FB0] =	sst s1  }
0xa: {  	[smem:$0x3FB1] =	sst s2  }
0xb: {  	[smem:$0x3FB2] =	sst s3  }
0xc: {  	[smem:$0x3FB3] =	sst s4  }
0xd: {  	[smem:$0x3FB4] =	sst s5  }
0xe: {  	[smem:$0x3FB5] =	sst s6  }
0xf: {  	[smem:$0x3FB6] =	sst s7  }
0x10: {  	[smem:$0x3FB7] =	sst s8  }
0x11: {  	[smem:$0x3FB8] =	sst s9;
	s0 =	simm.s32 @!p0 $0x0  }
0x12: {  	s1 =	sld [smem:$0x3F9E];
	s0 =	simm.s32 @p0 $0x1  }
0x13: {  	[smem:$0x3FB9] =	sst s0;
	s0 =	simm.s32 @!p1 $0x0  }
0x14: {  	s2 =	sld [smem:$0x3F9D];
	s0 =	simm.s32 @p1 $0x1  }
0x15: {  	[smem:$0x3FBA] =	sst s0;
	s0 =	simm.s32 @!p2 $0x0  }
0x16: {  	s3 =	sld [smem:$0x3FDB];
	s0 =	simm.s32 @p2 $0x1  }
0x17: {  	s4 =	simm.s32 $0x1BF5;
	[smem:$0x3FBC] =	sst s0  }
0x18: {  	s0 =	sld [smem:$0x3F9F];
	_ =	swait.ge [sflag:s4], $0x0  }
0x19: {  	s7 =	sld [smem:$0x3FA0]  }
0x1a: {  	s8 =	sadd.s32 $0xFFFFE003, lr  }
0x1b: {  	s9 =	sadd.s32 $0xFFFFFEF7, lr;
	s5 =	simm.s32 $0xFFFFFFFF;
	p2 =	slt.u32 s8, $0xFFFFF086  }
0x1c: {  	p1 =	slt.u32 s9, $0xF7A;
	s5 =	simm.s32 @!p2 $0x0  }
0x1d: {  	s5 =	simm.s32 @p1 $0x1;
	p0 =	seq.s32 s7, s2  }
0x1e: {  	s7 =	smul.u32 @!p0 $0xF7A, s2;
	p2 =	seq.s32 @!p0 s5, $0x0  }
0x1f: {  	s9 =	smul.u32 $0xF7A, s1;
	s8 =	simm.s32 @!p0 $0x1BF5;
	p2 =	por !p2, p0  }
0x20: {  	[sflag:s8] =	ssyncset.s32 @!p0 $0xFFFFF086;
	s6 =	sadd.s32 @!p0 s3, s7;
	s7 =	simm.s32 @!p0 $0x108  }
0x21: {  	s3 =	sadd.s32 s3, s9;
	s6 =	sadd.s32 @!p0 $0x88, s6;
	s7 =	simm.s32 @p2 $0x1082  }
0x22: {  	[simem:s7], [sflag:s8] =	dma.local @!p0 [hbm:s6], $0xF7A  }
0x23: {  	s9 =	sor.u32 $0xD0000000, s2;
	s6 =	simm.s32 $0x108;
	_ =	swait.ge @!p0 [sflag:s8], $0x0  }
0x24: {  	s3 =	sadd.s32 $0x88, s3;
	s6 =	simm.s32 @!p1 $0x1082;
	[sflag:s4] =	ssyncset.s32 $0xFFFFF086  }
0x25: {  	[simem:s6], [sflag:s4] =	dma.local [hbm:s3], $0xF7A  }
0x26: {  	[smem:$0x3FA0] =	sst s1;
	(tag) =	ssettag s2;
	_ =	strace s9  }
0x27: {  	s1 =	sld [smem:$0x3FB0]  }
0x28: {  	s2 =	sld [smem:$0x3FB1]  }
0x29: {  	s4 =	sld [smem:$0x3FB3]  }
0x2a: {  	p0 =	seq.s32 s5, $0x0;
	s5 =	sld [smem:$0x3FB4]  }
0x2b: {  	s6 =	sld [smem:$0x3FB5]  }
0x2c: {  	s7 =	sld [smem:$0x3FB6]  }
0x2d: {  	s3 =	simm.s32 $0x108;
	s8 =	sld [smem:$0x3FB7]  }
0x2e: {  	s3 =	simm.s32 @!p0 $0x1082;
	s9 =	sld [smem:$0x3FB8]  }
0x2f: {  	lr =	sadd.s32 s0, s3;
	s0 =	sld [smem:$0x3FAF]  }
0x30: {  	s3 =	sld [smem:$0x3FB2]  }
0x31: {  	[smem:$0x3FBB] =	sst s10  }
0x32: {  	s10 =	sld [smem:$0x3FB9];
	_ =	sdelay $0x3  }
0x33: {  	p0 =	seq.s32 s10, $0x1;
	s10 =	sld [smem:$0x3FBB];
	_ =	sdelay $0x3  }
0x34: {  	[smem:$0x3FBB] =	sst s10  }
0x35: {  	s10 =	sld [smem:$0x3FBA];
	_ =	sdelay $0x3  }
0x36: {  	p1 =	seq.s32 s10, $0x1;
	s10 =	sld [smem:$0x3FBB];
	_ =	sdelay $0x3  }
0x37: {  	[smem:$0x3FBB] =	sst s10  }
0x38: {  	s10 =	sld [smem:$0x3FBC]  }
0x39: {  	_ = 	snop;
	(pc) =	sbr.ind lr, $3  }
0x3a: {  	_ = 	snop  }
0x3b: {  	_ = 	snop  }
0x3c: {  	p2 =	seq.s32 s10, $0x1;
	s10 =	sld [smem:$0x3FBB]  }
0x3d: {  	_ =	shalt  }
0x3e: {  	_ =	shalt  }
0x3f: {  	_ =	shalt  }
0x40: {  	_ =	shalt  }
0x41: {  	_ =	shalt  }
0x42: {  	_ =	shalt  }
0x43: {  	_ =	shalt  }
0x44: {  	_ =	shalt  }
0x45: {  	_ =	shalt  }
0x46: {  	_ =	shalt  }
0x47: {  	_ =	shalt  }
0x48: {  	_ =	shalt  }
0x49: {  	_ =	shalt  }
0x4a: {  	_ =	shalt  }
0x4b: {  	_ =	shalt  }
0x4c: {  	_ =	shalt  }
0x4d: {  	_ =	shalt  }
0x4e: {  	_ =	shalt  }
0x4f: {  	_ =	shalt  }
0x50: {  	_ =	shalt  }
0x51: {  	_ =	shalt  }
0x52: {  	_ =	shalt  }
0x53: {  	_ =	shalt  }
0x54: {  	_ =	shalt  }
0x55: {  	_ =	shalt  }
0x56: {  	_ =	shalt  }
0x57: {  	_ =	shalt  }
0x58: {  	_ =	shalt  }
0x59: {  	_ =	shalt  }
0x5a: {  	_ =	shalt  }
0x5b: {  	_ =	shalt  }
0x5c: {  	_ =	shalt  }
0x5d: {  	_ =	shalt  }
0x5e: {  	_ =	shalt  }
0x5f: {  	_ =	shalt  }
0x60: {  	_ =	shalt  }
0x61: {  	_ =	shalt  }
0x62: {  	_ =	shalt  }
0x63: {  	_ =	shalt  }
0x64: {  	_ =	shalt  }
0x65: {  	_ =	shalt  }
0x66: {  	_ =	shalt  }
0x67: {  	_ =	shalt  }
0x68: {  	_ =	shalt  }
0x69: {  	_ =	shalt  }
0x6a: {  	_ =	shalt  }
0x6b: {  	_ =	shalt  }
0x6c: {  	_ =	shalt  }
0x6d: {  	_ =	shalt  }
0x6e: {  	_ =	shalt  }
0x6f: {  	_ =	shalt  }
0x70: {  	_ =	shalt  }
0x71: {  	_ =	shalt  }
0x72: {  	_ =	shalt  }
0x73: {  	_ =	shalt  }
0x74: {  	_ =	shalt  }
0x75: {  	_ =	shalt  }
0x76: {  	_ =	shalt  }
0x77: {  	_ =	shalt  }
0x78: {  	_ =	shalt  }
0x79: {  	_ =	shalt  }
0x7a: {  	_ =	shalt  }
0x7b: {  	_ =	shalt  }
0x7c: {  	_ =	shalt  }
0x7d: {  	_ =	shalt  }
0x7e: {  	_ =	shalt  }
0x7f: {  	_ =	shalt  }
0x80: {  	_ =	shalt  }
0x81: {  	_ =	shalt  }
0x82: {  	_ =	shalt  }
0x83: {  	_ =	shalt  }
0x84: {  	_ =	shalt  }
0x85: {  	_ =	shalt  }
0x86: {  	_ =	shalt  }
0x87: {  	_ =	shalt  }
.Lfunc_end0:
.L_simem_size_0:
called_computation_lowered:
.L_overlay_start_0:
0x88: {  	s2 =	sld [smem:$0x3FD9]  }
0x89: {  	s3 =	sld [smem:$0x3FFE];
	_ =	sdelay $0x1  }
0x8a: {  	s1 =	srdreg.scid  }
0x8b: {  	s0 =	sand.u32 $0x1, s1  }
0x8c: {  	s17 =	sshll.u32 s0, $0xA;
	s2 =	sadd.s32 s3, s2  }
0x8d: {  	s2 =	sadd.s32 s2, s17  }
0x8e: {  	[smem:$0x3FC7] =	sst s2  }
0x8f: {  	_ = 	snop  }
0x90: {  	s2 =	sld [smem:$0x3FC9];
	(tm) =	ssettm $0x1  }
0x91: {  	s18 =	sld [smem:$0x3FFB];
	_ =	sdelay $0x3  }
0x92: {  	_ =	strace s18  }
0x93: {  	s3 =	sld [smem:$0x3FFC];
	_ =	sdelay $0x3  }
0x94: {  	_ =	strace s3  }
0x95: {  	s3 =	sld [smem:$0x3FFD];
	_ =	sdelay $0x3  }
0x96: {  	_ =	strace s3  }
0x97: {  	_ =	strace $0x8FFFFFFF  }
0x98: {  	s19 =	sld [smem:$0x3FDB];
	_ =	sdelay $0x1  }
0x99: {  	s4 =	simm.s32 $_scs_section_size  }
0x9a: {  	s5 =	simm.s32 $_size__tile_overlayer_lowered;
	s6 =	simm.s32 $_tile_overlayer_lowered  }
0x9b: {  	s22 =	simm.s32 $0x1BFF;
	s21 =	sshll.u32 s6, $0x1;
	s3 =	sadd.s32 s4, s19  }
0x9c: {  	s7 =	simm.s32 $0x0;
	s20 =	sshll.u32 s5, $0x1;
	s5 =	sadd.s32 s21, s3  }
0x9d: {  	[timem:s7], [sflag:s22] =	dma.local [hbm:s5], s20  }
0x9e: {  	_ =	swait.ge [sflag:s22], s20  }
0x9f: {  	s4 =	ssub.s32 $0x0, s20;
	[sflag:s22] =	ssyncset.done $0x0  }
0xa0: {  	[sflag:s22] =	ssyncadd.s32 s4;
	_ =	sdelay $0x1  }
0xa1: {  	s23 =	simm.s32 $0x1B8B  }
0xa2: {  	_ =	swait.ge [sflag:s23], $0x1  }
0xa3: {  	[sflag:s23] =	ssyncset.done $0x0  }
0xa4: {  	s25 =	simm.s32 $0x1B8E;
	s24 =	sld [smem:$0x3FFE];
	[sflag:s23] =	ssyncadd.s32 $0xFFFFFFFF  }
0xa5: {  	s26 =	simm.s32 $execute0_lowered;
	[smem:$0x3FD2] =	sst s25  }
0xa6: {  	s5 =	sshll.u32 s26, $0x1;
	_ =	strace $0x80000046;
	[dreg:$0x1] =	wrdreg $0xFFFFFFFF  }
0xa7: {  	s28 =	simm.s32 $_size_execute0_lowered;
	s3 =	sadd.s32 s3, s5;
	[dreg:$0x0] =	wrdreg $0x0  }
0xa8: {  	s5 =	sshll.u32 s28, $0x1;
	[dreg:$0x2] =	wrdreg s3  }
0xa9: {  	[dreg:$0x3] =	wrdreg s5  }
0xaa: {  	[dreg:$0x4] =	wrdreg $0xC0  }
0xab: {  	_ =	task [dreg:s7], $0x5FFFF  }
0xac: {  	[dreg:$0x1] =	wrdreg $0xFFFFFFFF  }
0xad: {  	[dreg:$0x0] =	wrdreg $0x60  }
0xae: {  	[dreg:$0x2] =	wrdreg s2  }
0xaf: {  	[dreg:$0x3] =	wrdreg s24  }
0xb0: {  	[dreg:$0x4] =	wrdreg $0x9  }
0xb1: {  	_ =	task.clear_ibuf [dreg:s7], $0x5FFFF;
	_ =	strace $0x90000046  }
0xb2: {  	s29 =	simm.s32 $0x9;
	_ =	strace $0x80000048  }
0xb3: {  	_ =	swait.ge [sflag:s29], $0x1  }
0xb4: {  	[sflag:s29] =	ssyncadd.s32 $0xFFFFFFFF  }
0xb5: {  	_ =	strace $0x90000048  }
0xb6: {  	_ =	sfence  }
0xb7: {  	s30 =	sld [smem:$0x0];
	_ =	sdelay $0x2  }
0xb8: {  	s31 =	sshll.u32 s1, $0xD;
	s1 =	sshrl.u32 s1, $0x2  }
0xb9: {  	s3 =	sand.u32 $0x4000, s31;
	s1 =	sadd.s32 s1, s30  }
0xba: {  	s0 =	sor.u32 s3, s0;
	s1 =	sshll.u32 s1, $0x11  }
0xbb: {  	s0 =	sor.u32 s1, s0  }
0xbc: {  	s0 =	sadd.s32 $0x8F2B, s0  }
0xbd: {  	[sflag:s0] =	ssyncadd.remote.s32 $0x1  }
0xbe: {  	_ =	sfence.sel $0xFFFF  }
0xbf: {  	[dreg:$0x0] =	wrdreg $0xFFFFFFFF;
	(pc) =	sbr.abs _section_cstart, $3  }
0xc0: {  	[dreg:$0x1] =	wrdreg $0xFFFFFFFF  }
0xc1: {  	_ =	task.clear_ibuf [dreg:s7], $0x2FFFF;
	_ =	strace $0x9FFFFFFF  }
0xc2: {  	(tm) =	ssettm $0x7FFFFFFF  }
0xc3: {  	_ =	shalt  }
tec
execute0_lowered:
.L_overlay_start_1:
0x0: {  	(tag) =	ssettag $0x1  }
0x1: {  	s2 =	srdreg.scid  }
0x2: {  	s4 =	stileid.u32;
	s3 =	sand.u32 $0x1, s2  }
0x3: {  	s0 =	rddreg [dreg:$0x0];
	s4 =	sshll.u32 s4, $0xA;
	s5 =	sshll.u32 s3, $0x9  }
0x4: {  	s1 =	rddreg [dreg:$0x1];
	s4 =	sor.u32 s5, s4  }
0x5: {  	s2 =	simm.s32 $0x0;
	s5 =	sshll.u32 s4, $0x7;
	s4 =	sshrl.u32 s4, $0x3  }
0x6: {  	[smem:$0x7FF] =	sst s2;
	s5 =	sadd.s32 s5, s1;
	s0 =	sadd.s32 s0, s4  }
0x7: {  	_ =	strace $0x80000047;
	[dreg:$0x3] =	wrdreg s0;
	s8 =	sadd.s32 $0x400, s5  }
0x8: {  	s9 =	sadd.s32 $0xC00, s5;
	[dreg:$0x4] =	wrdreg s8  }
0x9: {  	s10 =	sadd.s32 $0x1400, s5;
	[dreg:$0x5] =	wrdreg s9  }
0xa: {  	s11 =	sadd.s32 $0x1C00, s5;
	[dreg:$0x6] =	wrdreg s10  }
0xb: {  	s12 =	sadd.s32 $0x2400, s5;
	[dreg:$0x7] =	wrdreg s11  }
0xc: {  	s13 =	sadd.s32 $0x2C00, s5;
	[dreg:$0x8] =	wrdreg s12  }
0xd: {  	s3 =	ssub.s32 $0x2, s3;
	s14 =	sadd.s32 $0x3400, s5;
	[dreg:$0x9] =	wrdreg s13  }
0xe: {  	s7 =	sshrl.u32 s3, $0x1;
	s15 =	sadd.s32 $0x3C00, s5;
	[dreg:$0xa] =	wrdreg s14  }
0xf: {  	v0 =	vimm.s32 $0x2380;
	vm0 =	vcmask $0x300;
	s6 =	ssub.s32 s3, s7;
	s16 =	sadd.s32 $0x4400, s5;
	[dreg:$0xb] =	wrdreg s15  }
0x10: {  	vm14 =	vcmask $0x704;
	v0 =	vsel vm0, $0x0, v0;
	s7 =	simm.s32 $0x5;
	s17 =	sadd.s32 $0x4C00, s5;
	[dreg:$0xc] =	wrdreg s16  }
0x11: {  	vm15 =	vcmask $0xB08;
	v0 =	vsel vm14, $0x80, v0;
	s6 =	smax.u32 s6, $0x1;
	s18 =	sadd.s32 $0x5400, s5;
	[dreg:$0xd] =	wrdreg s17  }
0x12: {  	vm4 =	vcmask $0xF0C;
	v0 =	vsel vm15, $0x100, v0;
	s19 =	sadd.s32 $0x5C00, s5;
	s20 =	sadd.s32 $0x6400, s5;
	[dreg:$0xe] =	wrdreg s18  }
0x13: {  	vm5 =	vcmask $0x1310;
	v0 =	vsel vm4, $0x180, v0;
	s21 =	sadd.s32 $0x6C00, s5;
	s22 =	sadd.s32 $0x7400, s5;
	[dreg:$0xf] =	wrdreg s19  }
0x14: {  	vm6 =	vcmask $0x1714;
	v0 =	vsel vm5, $0x200, v0;
	s23 =	sadd.s32 $0x7C00, s5;
	s24 =	sadd.s32 $0x8400, s5;
	[dreg:$0x10] =	wrdreg s20  }
0x15: {  	vm7 =	vcmask $0x1B18;
	v0 =	vsel vm6, $0x280, v0;
	s25 =	sadd.s32 $0x8C00, s5;
	s26 =	sadd.s32 $0x9400, s5;
	[dreg:$0x11] =	wrdreg s21  }
0x16: {  	vm8 =	vcmask $0x1F1C;
	s28 =	sadd.s32 $0xBC00, s5;
	s29 =	sadd.s32 $0xC400, s5;
	[dreg:$0x12] =	wrdreg s22;
	v0 =	vsel vm7, $0x300, v0  }
0x17: {  	vm9 =	vcmask $0x2320;
	s30 =	sadd.s32 $0xCC00, s5;
	s31 =	sadd.s32 $0xD400, s5;
	[dreg:$0x13] =	wrdreg s23;
	v0 =	vsel vm8, $0x380, v0  }
0x18: {  	vm10 =	vcmask $0x2724;
	s0 =	sadd.s32 $0xDC00, s5;
	s1 =	sadd.s32 $0xE400, s5;
	[dreg:$0x14] =	wrdreg s24;
	v0 =	vsel vm9, $0x2000, v0  }
0x19: {  	vm11 =	vcmask $0x2B28;
	s3 =	sadd.s32 $0xEC00, s5;
	s4 =	sadd.s32 $0xF400, s5;
	[dreg:$0x15] =	wrdreg s25;
	v0 =	vsel vm10, $0x2080, v0  }
0x1a: {  	vm12 =	vcmask $0x2F2C;
	[dreg:$0x16] =	wrdreg s26;
	s23 =	sadd.s32 $0x9C00, s5;
	s24 =	sadd.s32 $0xA400, s5;
	v0 =	vsel vm11, $0x2100, v0  }
0x1b: {  	vm13 =	vcmask $0x3330;
	s25 =	sadd.s32 $0xAC00, s5;
	s26 =	sadd.s32 $0xB400, s5;
	s5 =	sadd.s32 $0xFC00, s5;
	v1 =	vsel vm12, $0x2180, v0  }
0x1c: {  	v2 =	vlaneseq.u32;
	vm14 =	vcmask $0x3734;
	s8 =	simm.s32 $0x200;
	s9 =	simm.s32 $0x4200;
	s10 =	simm.s32 $0x8200;
	v1 =	vsel vm13, $0x2200, v1  }
0x1d: {  	vm15 =	vcmask $0x3B38;
	s11 =	simm.s32 $0xC200;
	s12 =	simm.s32 $0x1;
	s13 =	simm.s32 $0x2;
	v0 =	vimm.f32 $0.0e+00;
	v3 =	vsel vm14, $0x2280, v1  }
0x1e: {  	s14 =	simm.s32 $0x3;
	s15 =	simm.s32 $0x4;
	s16 =	simm.s32 $0x0;
	v1 =	vadd.s32 $0x1C58, v2;
	v2 =	vsel vm15, $0x2300, v3;
	v3 =	vimm.f32 $1.000000000e+00  }
.LBB2_1:
0x1f: {  	s17 =	rddreg [dreg:$0x3]  }
0x20: {  	[tilespmem:s2], [sflag:$0x5] =	stream.linear.gather [hbm4b:s17+s2], $0x200, $0x38;
	[tilespmem:$0x10200] =	vst v63  }
0x21: {  	_ =	swait.ge [sflag:s7], $0x200  }
0x22: {  	[sflag:s7] =	ssyncset.done $0x0  }
0x23: {  	s17 =	simm.s32 $0x0;
	[sflag:s7] =	ssyncadd.s32 $0xFFFFFE00  }
.LBB2_2:
0x24: {  	s18 =	sshll.u32 s17, $0xA;
	s19 =	sshll.u32 s17, $0x7  }
0x25: {  	s20 =	simm.s32 $0x0;
	s18 =	sand.u32 $0x2000, s18;
	s19 =	sand.u32 $0x380, s19  }
0x26: {  	s22 =	sand.u32 $0x1C00, s20;
	s18 =	sor.u32 s18, s19  }
0x27: {  	s20 =	sand.u32 $0x70, s20;
	s19 =	sor.u32 s22, s18  }
0x28: {  	s19 =	sor.u32 s20, s19  }
0x29: {  	[tilespmem:s19+$0xC200] =	vst v0  }
0x2a: {  	[tilespmem:s19+$0x200] =	vst v0  }
0x2b: {  	s21 =	simm.s32 $0x80;
	s20 =	simm.s32 $0x10;
	[tilespmem:s19+$0x4200] =	vst v0  }
.LBB2_3:
0x2c: {  	s22 =	sand.u32 $0x1C00, s21  }
0x2d: {  	p0 =	sne.s32 s20, $0x3D0;
	[tilespmem:s19+$0x8200] =	vst v0;
	s19 =	smov.u32 s20;
	s20 =	sadd.s32 $0x10, s20  }
.Ltmp0:
0x2e: {  	s19 =	sand.u32 $0x70, s19;
	s22 =	sor.u32 s22, s18;
	(pc) =	sbr.rel @p0 .LBB2_3-.Ltmp0, $4  }
0x2f: {  	s19 =	sor.u32 s19, s22  }
0x30: {  	[tilespmem:s19+$0xC200] =	vst v0  }
0x31: {  	[tilespmem:s19+$0x200] =	vst v0  }
0x32: {  	s21 =	sadd.s32 $0x80, s21;
	[tilespmem:s19+$0x4200] =	vst v0  }
0x33: {  	v4 =	vmov s17  }
0x34: {  	v5 =	vshll.u32 v4, $0x7  }
0x35: {  	v4 =	vshll.u32 v4, $0xA;
	v5 =	vand.u32 $0x380, v5  }
0x36: {  	v4 =	vor.u32 v5, v4  }
0x37: {  	v4 =	vor.u32 v1, v4;
	_ =	sdelay $0x1  }
0x38: {  	s17 =	sadd.s32 $0x1, s17  }
0x39: {  	p0 =	sne.s32 s17, $0x10  }
.Ltmp1:
0x3a: {  	[tilespmem:s19+$0x8200] =	vst v0;
	(pc) =	sbr.rel @p0 .LBB2_2-.Ltmp1, $4  }
0x3b: {  	[tilespmem:v4+s8+$0x0] =	vst.idx.msk $0xffff, v0  }
0x3c: {  	[tilespmem:v4+s9+$0x0] =	vst.idx.msk $0xffff, v0  }
0x3d: {  	[tilespmem:v4+s10+$0x0] =	vst.idx.msk $0xffff, v0  }
0x3e: {  	[tilespmem:v4+s11+$0x0] =	vst.idx.msk $0xffff, v0  }
0x3f: {  	v4 =	vld [tilespmem:$0x0];
	_ =	sdelay $0x4  }
0x40: {  	v5 =	vshll.u32 v4, $0x3  }
0x41: {  	v4 =	vand.u32 $0x7F, v4;
	v5 =	vand.u32 $0xFFFFFC00, v5  }
0x42: {  	v4 =	vor.u32 v4, v5  }
0x43: {  	v4 =	vadd.s32 v2, v4;
	_ =	sdelay $0x4  }
0x44: {  	s17 =	rddreg [dreg:$0x4];
	[tilespmem:v4+s8+$0x0] =	vst.idx.msk $0xffff, v3  }
0x45: {  	[hbm4b:s17+s2] =	stream.linear.scatter [tilespmem:s8], [sflag:$0x1], $0x4000, $0x38;
	[tilespmem:$0x10200] =	vst v63  }
0x46: {  	v5 =	vld [tilespmem:$0x10];
	_ =	sdelay $0x4  }
0x47: {  	v6 =	vshll.u32 v5, $0x3  }
0x48: {  	v5 =	vand.u32 $0x7F, v5;
	v6 =	vand.u32 $0xFFFFFC00, v6  }
0x49: {  	v5 =	vor.u32 v5, v6  }
0x4a: {  	v5 =	vadd.s32 v2, v5;
	_ =	sdelay $0x4  }
0x4b: {  	s20 =	rddreg [dreg:$0x5];
	[tilespmem:v5+s9+$0x0] =	vst.idx.msk $0xffff, v3  }
0x4c: {  	[hbm4b:s20+s2] =	stream.linear.scatter [tilespmem:s9], [sflag:$0x2], $0x4000, $0x38;
	[tilespmem:$0x10200] =	vst v63  }
0x4d: {  	v37 =	vld [tilespmem:$0x20];
	_ =	sdelay $0x4  }
0x4e: {  	v7 =	vshll.u32 v37, $0x3  }
0x4f: {  	v6 =	vand.u32 $0x7F, v37;
	v7 =	vand.u32 $0xFFFFFC00, v7  }
0x50: {  	v6 =	vor.u32 v6, v7  }
0x51: {  	v6 =	vadd.s32 v2, v6;
	_ =	sdelay $0x4  }
0x52: {  	s21 =	rddreg [dreg:$0x6];
	[tilespmem:v6+s10+$0x0] =	vst.idx.msk $0xffff, v3  }
0x53: {  	[hbm4b:s21+s2] =	stream.linear.scatter [tilespmem:s10], [sflag:$0x3], $0x4000, $0x38;
	[tilespmem:$0x10200] =	vst v63  }
0x54: {  	v38 =	vld [tilespmem:$0x30];
	_ =	sdelay $0x4  }
0x55: {  	v8 =	vshll.u32 v38, $0x3  }
0x56: {  	v7 =	vand.u32 $0x7F, v38;
	v8 =	vand.u32 $0xFFFFFC00, v8  }
0x57: {  	v7 =	vor.u32 v7, v8  }
0x58: {  	v7 =	vadd.s32 v2, v7;
	_ =	sdelay $0x4  }
0x59: {  	s22 =	rddreg [dreg:$0x7];
	[tilespmem:v7+s11+$0x0] =	vst.idx.msk $0xffff, v3  }
0x5a: {  	[hbm4b:s22+s2] =	stream.linear.scatter [tilespmem:s11], [sflag:$0x4], $0x4000, $0x38;
	[tilespmem:$0x10200] =	vst v63  }
0x5b: {  	_ =	swait.ge [sflag:s12], $0x4000  }
0x5c: {  	[sflag:s12] =	ssyncset.done $0x0  }
0x5d: {  	[sflag:s12] =	ssyncadd.s32 $0xFFFFC000  }
0x5e: {  	[tilespmem:v4+s8+$0x0] =	vst.idx.msk $0xffff, v0  }
0x5f: {  	v4 =	vld [tilespmem:$0x40];
	_ =	sdelay $0x4  }
0x60: {  	v39 =	vshll.u32 v4, $0x3  }
0x61: {  	v4 =	vand.u32 $0x7F, v4;
	v8 =	vand.u32 $0xFFFFFC00, v39  }
0x62: {  	v4 =	vor.u32 v4, v8  }
0x63: {  	v4 =	vadd.s32 v2, v4;
	_ =	sdelay $0x4  }
0x64: {  	s18 =	rddreg [dreg:$0x8];
	[tilespmem:v4+s8+$0x0] =	vst.idx.msk $0xffff, v3  }
0x65: {  	[hbm4b:s18+s2] =	stream.linear.scatter [tilespmem:s8], [sflag:$0x1], $0x4000, $0x38;
	[tilespmem:$0x10200] =	vst v63  }
0x66: {  	_ =	swait.ge [sflag:s13], $0x4000  }
0x67: {  	[sflag:s13] =	ssyncset.done $0x0  }
0x68: {  	[sflag:s13] =	ssyncadd.s32 $0xFFFFC000  }
0x69: {  	[tilespmem:v5+s9+$0x0] =	vst.idx.msk $0xffff, v0  }
0x6a: {  	v5 =	vld [tilespmem:$0x50];
	_ =	sdelay $0x4  }
0x6b: {  	v40 =	vshll.u32 v5, $0x3  }
0x6c: {  	v5 =	vand.u32 $0x7F, v5;
	v8 =	vand.u32 $0xFFFFFC00, v40  }
0x6d: {  	v5 =	vor.u32 v5, v8  }
0x6e: {  	v5 =	vadd.s32 v2, v5;
	_ =	sdelay $0x4  }
0x6f: {  	s19 =	rddreg [dreg:$0x9];
	[tilespmem:v5+s9+$0x0] =	vst.idx.msk $0xffff, v3  }
0x70: {  	[hbm4b:s19+s2] =	stream.linear.scatter [tilespmem:s9], [sflag:$0x2], $0x4000, $0x38;
	[tilespmem:$0x10200] =	vst v63  }
0x71: {  	_ =	swait.ge [sflag:s14], $0x4000  }
0x72: {  	[sflag:s14] =	ssyncset.done $0x0  }
0x73: {  	[sflag:s14] =	ssyncadd.s32 $0xFFFFC000  }
0x74: {  	[tilespmem:v6+s10+$0x0] =	vst.idx.msk $0xffff, v0  }
0x75: {  	v6 =	vld [tilespmem:$0x60];
	_ =	sdelay $0x4  }
0x76: {  	v41 =	vshll.u32 v6, $0x3  }
0x77: {  	v6 =	vand.u32 $0x7F, v6;
	v8 =	vand.u32 $0xFFFFFC00, v41  }
0x78: {  	v6 =	vor.u32 v6, v8  }
0x79: {  	v6 =	vadd.s32 v2, v6;
	_ =	sdelay $0x4  }
0x7a: {  	s20 =	rddreg [dreg:$0xa];
	[tilespmem:v6+s10+$0x0] =	vst.idx.msk $0xffff, v3  }
0x7b: {  	[hbm4b:s20+s2] =	stream.linear.scatter [tilespmem:s10], [sflag:$0x3], $0x4000, $0x38;
	[tilespmem:$0x10200] =	vst v63  }
0x7c: {  	_ =	swait.ge [sflag:s15], $0x4000  }
0x7d: {  	[sflag:s15] =	ssyncset.done $0x0  }
0x7e: {  	[sflag:s15] =	ssyncadd.s32 $0xFFFFC000  }
0x7f: {  	[tilespmem:v7+s11+$0x0] =	vst.idx.msk $0xffff, v0  }
0x80: {  	v7 =	vld [tilespmem:$0x70];
	_ =	sdelay $0x4  }
0x81: {  	v42 =	vshll.u32 v7, $0x3  }
0x82: {  	v7 =	vand.u32 $0x7F, v7;
	v8 =	vand.u32 $0xFFFFFC00, v42  }
0x83: {  	v7 =	vor.u32 v7, v8  }
0x84: {  	v7 =	vadd.s32 v2, v7;
	_ =	sdelay $0x4  }
0x85: {  	s21 =	rddreg [dreg:$0xb];
	[tilespmem:v7+s11+$0x0] =	vst.idx.msk $0xffff, v3  }
0x86: {  	[hbm4b:s21+s2] =	stream.linear.scatter [tilespmem:s11], [sflag:$0x4], $0x4000, $0x38;
	[tilespmem:$0x10200] =	vst v63  }
0x87: {  	_ =	swait.ge [sflag:s12], $0x4000  }
0x88: {  	[sflag:s12] =	ssyncset.done $0x0  }
0x89: {  	[sflag:s12] =	ssyncadd.s32 $0xFFFFC000  }
0x8a: {  	[tilespmem:v4+s8+$0x0] =	vst.idx.msk $0xffff, v0  }
0x8b: {  	v4 =	vld [tilespmem:$0x80];
	_ =	sdelay $0x4  }
0x8c: {  	v43 =	vshll.u32 v4, $0x3  }
0x8d: {  	v4 =	vand.u32 $0x7F, v4;
	v8 =	vand.u32 $0xFFFFFC00, v43  }
0x8e: {  	v4 =	vor.u32 v4, v8  }
0x8f: {  	v4 =	vadd.s32 v2, v4;
	_ =	sdelay $0x4  }
0x90: {  	s22 =	rddreg [dreg:$0xc];
	[tilespmem:v4+s8+$0x0] =	vst.idx.msk $0xffff, v3  }
0x91: {  	[hbm4b:s22+s2] =	stream.linear.scatter [tilespmem:s8], [sflag:$0x1], $0x4000, $0x38;
	[tilespmem:$0x10200] =	vst v63  }
0x92: {  	_ =	swait.ge [sflag:s13], $0x4000  }
0x93: {  	[sflag:s13] =	ssyncset.done $0x0  }
0x94: {  	[sflag:s13] =	ssyncadd.s32 $0xFFFFC000  }
0x95: {  	[tilespmem:v5+s9+$0x0] =	vst.idx.msk $0xffff, v0  }
0x96: {  	v5 =	vld [tilespmem:$0x90];
	_ =	sdelay $0x4  }
0x97: {  	v44 =	vshll.u32 v5, $0x3  }
0x98: {  	v5 =	vand.u32 $0x7F, v5;
	v8 =	vand.u32 $0xFFFFFC00, v44  }
0x99: {  	v5 =	vor.u32 v5, v8  }
0x9a: {  	v5 =	vadd.s32 v2, v5;
	_ =	sdelay $0x4  }
0x9b: {  	s18 =	rddreg [dreg:$0xd];
	[tilespmem:v5+s9+$0x0] =	vst.idx.msk $0xffff, v3  }
0x9c: {  	[hbm4b:s18+s2] =	stream.linear.scatter [tilespmem:s9], [sflag:$0x2], $0x4000, $0x38;
	[tilespmem:$0x10200] =	vst v63  }
0x9d: {  	_ =	swait.ge [sflag:s14], $0x4000  }
0x9e: {  	[sflag:s14] =	ssyncset.done $0x0  }
0x9f: {  	[sflag:s14] =	ssyncadd.s32 $0xFFFFC000  }
0xa0: {  	[tilespmem:v6+s10+$0x0] =	vst.idx.msk $0xffff, v0  }
0xa1: {  	v6 =	vld [tilespmem:$0xA0];
	_ =	sdelay $0x4  }
0xa2: {  	v45 =	vshll.u32 v6, $0x3  }
0xa3: {  	v6 =	vand.u32 $0x7F, v6;
	v8 =	vand.u32 $0xFFFFFC00, v45  }
0xa4: {  	v6 =	vor.u32 v6, v8  }
0xa5: {  	v6 =	vadd.s32 v2, v6;
	_ =	sdelay $0x4  }
0xa6: {  	s19 =	rddreg [dreg:$0xe];
	[tilespmem:v6+s10+$0x0] =	vst.idx.msk $0xffff, v3  }
0xa7: {  	[hbm4b:s19+s2] =	stream.linear.scatter [tilespmem:s10], [sflag:$0x3], $0x4000, $0x38;
	[tilespmem:$0x10200] =	vst v63  }
0xa8: {  	_ =	swait.ge [sflag:s15], $0x4000  }
0xa9: {  	[sflag:s15] =	ssyncset.done $0x0  }
0xaa: {  	[sflag:s15] =	ssyncadd.s32 $0xFFFFC000  }
0xab: {  	[tilespmem:v7+s11+$0x0] =	vst.idx.msk $0xffff, v0  }
0xac: {  	v7 =	vld [tilespmem:$0xB0];
	_ =	sdelay $0x4  }
0xad: {  	v46 =	vshll.u32 v7, $0x3  }
0xae: {  	v7 =	vand.u32 $0x7F, v7;
	v8 =	vand.u32 $0xFFFFFC00, v46  }
0xaf: {  	v7 =	vor.u32 v7, v8  }
0xb0: {  	v7 =	vadd.s32 v2, v7;
	_ =	sdelay $0x4  }
0xb1: {  	s20 =	rddreg [dreg:$0xf];
	[tilespmem:v7+s11+$0x0] =	vst.idx.msk $0xffff, v3  }
0xb2: {  	[hbm4b:s20+s2] =	stream.linear.scatter [tilespmem:s11], [sflag:$0x4], $0x4000, $0x38;
	[tilespmem:$0x10200] =	vst v63  }
0xb3: {  	_ =	swait.ge [sflag:s12], $0x4000  }
0xb4: {  	[sflag:s12] =	ssyncset.done $0x0  }
0xb5: {  	[sflag:s12] =	ssyncadd.s32 $0xFFFFC000  }
0xb6: {  	[tilespmem:v4+s8+$0x0] =	vst.idx.msk $0xffff, v0  }
0xb7: {  	v4 =	vld [tilespmem:$0xC0];
	_ =	sdelay $0x4  }
0xb8: {  	v47 =	vshll.u32 v4, $0x3  }
0xb9: {  	v4 =	vand.u32 $0x7F, v4;
	v8 =	vand.u32 $0xFFFFFC00, v47  }
0xba: {  	v4 =	vor.u32 v4, v8  }
0xbb: {  	v4 =	vadd.s32 v2, v4;
	_ =	sdelay $0x4  }
0xbc: {  	s21 =	rddreg [dreg:$0x10];
	[tilespmem:v4+s8+$0x0] =	vst.idx.msk $0xffff, v3  }
0xbd: {  	[hbm4b:s21+s2] =	stream.linear.scatter [tilespmem:s8], [sflag:$0x1], $0x4000, $0x38;
	[tilespmem:$0x10200] =	vst v63  }
0xbe: {  	_ =	swait.ge [sflag:s13], $0x4000  }
0xbf: {  	[sflag:s13] =	ssyncset.done $0x0  }
0xc0: {  	[sflag:s13] =	ssyncadd.s32 $0xFFFFC000  }
0xc1: {  	[tilespmem:v5+s9+$0x0] =	vst.idx.msk $0xffff, v0  }
0xc2: {  	v5 =	vld [tilespmem:$0xD0];
	_ =	sdelay $0x4  }
0xc3: {  	v48 =	vshll.u32 v5, $0x3  }
0xc4: {  	v5 =	vand.u32 $0x7F, v5;
	v8 =	vand.u32 $0xFFFFFC00, v48  }
0xc5: {  	v5 =	vor.u32 v5, v8  }
0xc6: {  	v5 =	vadd.s32 v2, v5;
	_ =	sdelay $0x4  }
0xc7: {  	s22 =	rddreg [dreg:$0x11];
	[tilespmem:v5+s9+$0x0] =	vst.idx.msk $0xffff, v3  }
0xc8: {  	[hbm4b:s22+s2] =	stream.linear.scatter [tilespmem:s9], [sflag:$0x2], $0x4000, $0x38;
	[tilespmem:$0x10200] =	vst v63  }
0xc9: {  	_ =	swait.ge [sflag:s14], $0x4000  }
0xca: {  	[sflag:s14] =	ssyncset.done $0x0  }
0xcb: {  	[sflag:s14] =	ssyncadd.s32 $0xFFFFC000  }
0xcc: {  	[tilespmem:v6+s10+$0x0] =	vst.idx.msk $0xffff, v0  }
0xcd: {  	v6 =	vld [tilespmem:$0xE0];
	_ =	sdelay $0x4  }
0xce: {  	v49 =	vshll.u32 v6, $0x3  }
0xcf: {  	v6 =	vand.u32 $0x7F, v6;
	v8 =	vand.u32 $0xFFFFFC00, v49  }
0xd0: {  	v6 =	vor.u32 v6, v8  }
0xd1: {  	v6 =	vadd.s32 v2, v6;
	_ =	sdelay $0x4  }
0xd2: {  	s18 =	rddreg [dreg:$0x12];
	[tilespmem:v6+s10+$0x0] =	vst.idx.msk $0xffff, v3  }
0xd3: {  	[hbm4b:s18+s2] =	stream.linear.scatter [tilespmem:s10], [sflag:$0x3], $0x4000, $0x38;
	[tilespmem:$0x10200] =	vst v63  }
0xd4: {  	_ =	swait.ge [sflag:s15], $0x4000  }
0xd5: {  	[sflag:s15] =	ssyncset.done $0x0  }
0xd6: {  	[sflag:s15] =	ssyncadd.s32 $0xFFFFC000  }
0xd7: {  	[tilespmem:v7+s11+$0x0] =	vst.idx.msk $0xffff, v0  }
0xd8: {  	v7 =	vld [tilespmem:$0xF0];
	_ =	sdelay $0x4  }
0xd9: {  	v50 =	vshll.u32 v7, $0x3  }
0xda: {  	v7 =	vand.u32 $0x7F, v7;
	v8 =	vand.u32 $0xFFFFFC00, v50  }
0xdb: {  	v7 =	vor.u32 v7, v8  }
0xdc: {  	v7 =	vadd.s32 v2, v7;
	_ =	sdelay $0x4  }
0xdd: {  	s19 =	rddreg [dreg:$0x13];
	[tilespmem:v7+s11+$0x0] =	vst.idx.msk $0xffff, v3  }
0xde: {  	[hbm4b:s19+s2] =	stream.linear.scatter [tilespmem:s11], [sflag:$0x4], $0x4000, $0x38;
	[tilespmem:$0x10200] =	vst v63  }
0xdf: {  	_ =	swait.ge [sflag:s12], $0x4000  }
0xe0: {  	[sflag:s12] =	ssyncset.done $0x0  }
0xe1: {  	[sflag:s12] =	ssyncadd.s32 $0xFFFFC000  }
0xe2: {  	[tilespmem:v4+s8+$0x0] =	vst.idx.msk $0xffff, v0  }
0xe3: {  	v4 =	vld [tilespmem:$0x100];
	_ =	sdelay $0x4  }
0xe4: {  	v51 =	vshll.u32 v4, $0x3  }
0xe5: {  	v4 =	vand.u32 $0x7F, v4;
	v8 =	vand.u32 $0xFFFFFC00, v51  }
0xe6: {  	v4 =	vor.u32 v4, v8  }
0xe7: {  	v4 =	vadd.s32 v2, v4;
	_ =	sdelay $0x4  }
0xe8: {  	s20 =	rddreg [dreg:$0x14];
	[tilespmem:v4+s8+$0x0] =	vst.idx.msk $0xffff, v3  }
0xe9: {  	[hbm4b:s20+s2] =	stream.linear.scatter [tilespmem:s8], [sflag:$0x1], $0x4000, $0x38;
	[tilespmem:$0x10200] =	vst v63  }
0xea: {  	_ =	swait.ge [sflag:s13], $0x4000  }
0xeb: {  	[sflag:s13] =	ssyncset.done $0x0  }
0xec: {  	[sflag:s13] =	ssyncadd.s32 $0xFFFFC000  }
0xed: {  	[tilespmem:v5+s9+$0x0] =	vst.idx.msk $0xffff, v0  }
0xee: {  	v5 =	vld [tilespmem:$0x110];
	_ =	sdelay $0x4  }
0xef: {  	v52 =	vshll.u32 v5, $0x3  }
0xf0: {  	v5 =	vand.u32 $0x7F, v5;
	v8 =	vand.u32 $0xFFFFFC00, v52  }
0xf1: {  	v5 =	vor.u32 v5, v8  }
0xf2: {  	v5 =	vadd.s32 v2, v5;
	_ =	sdelay $0x4  }
0xf3: {  	s21 =	rddreg [dreg:$0x15];
	[tilespmem:v5+s9+$0x0] =	vst.idx.msk $0xffff, v3  }
0xf4: {  	[hbm4b:s21+s2] =	stream.linear.scatter [tilespmem:s9], [sflag:$0x2], $0x4000, $0x38;
	[tilespmem:$0x10200] =	vst v63  }
0xf5: {  	_ =	swait.ge [sflag:s14], $0x4000  }
0xf6: {  	[sflag:s14] =	ssyncset.done $0x0  }
0xf7: {  	[sflag:s14] =	ssyncadd.s32 $0xFFFFC000  }
0xf8: {  	[tilespmem:v6+s10+$0x0] =	vst.idx.msk $0xffff, v0  }
0xf9: {  	v6 =	vld [tilespmem:$0x120];
	_ =	sdelay $0x4  }
0xfa: {  	v53 =	vshll.u32 v6, $0x3  }
0xfb: {  	v6 =	vand.u32 $0x7F, v6;
	v8 =	vand.u32 $0xFFFFFC00, v53  }
0xfc: {  	v6 =	vor.u32 v6, v8  }
0xfd: {  	v6 =	vadd.s32 v2, v6;
	_ =	sdelay $0x4  }
0xfe: {  	s22 =	rddreg [dreg:$0x16];
	[tilespmem:v6+s10+$0x0] =	vst.idx.msk $0xffff, v3  }
0xff: {  	[hbm4b:s22+s2] =	stream.linear.scatter [tilespmem:s10], [sflag:$0x3], $0x4000, $0x38;
	[tilespmem:$0x10200] =	vst v63  }
0x100: {  	_ =	swait.ge [sflag:s15], $0x4000  }
0x101: {  	[sflag:s15] =	ssyncset.done $0x0  }
0x102: {  	[sflag:s15] =	ssyncadd.s32 $0xFFFFC000  }
0x103: {  	[tilespmem:v7+s11+$0x0] =	vst.idx.msk $0xffff, v0  }
0x104: {  	v7 =	vld [tilespmem:$0x130];
	_ =	sdelay $0x4  }
0x105: {  	v54 =	vshll.u32 v7, $0x3  }
0x106: {  	v7 =	vand.u32 $0x7F, v7;
	v8 =	vand.u32 $0xFFFFFC00, v54  }
0x107: {  	v7 =	vor.u32 v7, v8  }
0x108: {  	v7 =	vadd.s32 v2, v7;
	_ =	sdelay $0x4  }
0x109: {  	[tilespmem:v7+s11+$0x0] =	vst.idx.msk $0xffff, v3  }
0x10a: {  	[hbm4b:s23+s2] =	stream.linear.scatter [tilespmem:s11], [sflag:$0x4], $0x4000, $0x38;
	[tilespmem:$0x10200] =	vst v63  }
0x10b: {  	_ =	swait.ge [sflag:s12], $0x4000  }
0x10c: {  	[sflag:s12] =	ssyncset.done $0x0  }
0x10d: {  	[sflag:s12] =	ssyncadd.s32 $0xFFFFC000  }
0x10e: {  	[tilespmem:v4+s8+$0x0] =	vst.idx.msk $0xffff, v0  }
0x10f: {  	v4 =	vld [tilespmem:$0x140];
	_ =	sdelay $0x4  }
0x110: {  	v55 =	vshll.u32 v4, $0x3  }
0x111: {  	v4 =	vand.u32 $0x7F, v4;
	v8 =	vand.u32 $0xFFFFFC00, v55  }
0x112: {  	v4 =	vor.u32 v4, v8  }
0x113: {  	v4 =	vadd.s32 v2, v4;
	_ =	sdelay $0x4  }
0x114: {  	[tilespmem:v4+s8+$0x0] =	vst.idx.msk $0xffff, v3  }
0x115: {  	[hbm4b:s24+s2] =	stream.linear.scatter [tilespmem:s8], [sflag:$0x1], $0x4000, $0x38;
	[tilespmem:$0x10200] =	vst v63  }
0x116: {  	_ =	swait.ge [sflag:s13], $0x4000  }
0x117: {  	[sflag:s13] =	ssyncset.done $0x0  }
0x118: {  	[sflag:s13] =	ssyncadd.s32 $0xFFFFC000  }
0x119: {  	[tilespmem:v5+s9+$0x0] =	vst.idx.msk $0xffff, v0  }
0x11a: {  	v5 =	vld [tilespmem:$0x150];
	_ =	sdelay $0x4  }
0x11b: {  	v56 =	vshll.u32 v5, $0x3  }
0x11c: {  	v5 =	vand.u32 $0x7F, v5;
	v8 =	vand.u32 $0xFFFFFC00, v56  }
0x11d: {  	v5 =	vor.u32 v5, v8  }
0x11e: {  	v5 =	vadd.s32 v2, v5;
	_ =	sdelay $0x4  }
0x11f: {  	[tilespmem:v5+s9+$0x0] =	vst.idx.msk $0xffff, v3  }
0x120: {  	[hbm4b:s25+s2] =	stream.linear.scatter [tilespmem:s9], [sflag:$0x2], $0x4000, $0x38;
	[tilespmem:$0x10200] =	vst v63  }
0x121: {  	_ =	swait.ge [sflag:s14], $0x4000  }
0x122: {  	[sflag:s14] =	ssyncset.done $0x0  }
0x123: {  	[sflag:s14] =	ssyncadd.s32 $0xFFFFC000  }
0x124: {  	[tilespmem:v6+s10+$0x0] =	vst.idx.msk $0xffff, v0  }
0x125: {  	v6 =	vld [tilespmem:$0x160];
	_ =	sdelay $0x4  }
0x126: {  	v57 =	vshll.u32 v6, $0x3  }
0x127: {  	v6 =	vand.u32 $0x7F, v6;
	v8 =	vand.u32 $0xFFFFFC00, v57  }
0x128: {  	v6 =	vor.u32 v6, v8  }
0x129: {  	v6 =	vadd.s32 v2, v6;
	_ =	sdelay $0x4  }
0x12a: {  	[tilespmem:v6+s10+$0x0] =	vst.idx.msk $0xffff, v3  }
0x12b: {  	[hbm4b:s26+s2] =	stream.linear.scatter [tilespmem:s10], [sflag:$0x3], $0x4000, $0x38;
	[tilespmem:$0x10200] =	vst v63  }
0x12c: {  	_ =	swait.ge [sflag:s15], $0x4000  }
0x12d: {  	[sflag:s15] =	ssyncset.done $0x0  }
0x12e: {  	[sflag:s15] =	ssyncadd.s32 $0xFFFFC000  }
0x12f: {  	[tilespmem:v7+s11+$0x0] =	vst.idx.msk $0xffff, v0  }
0x130: {  	v7 =	vld [tilespmem:$0x170];
	_ =	sdelay $0x4  }
0x131: {  	v58 =	vshll.u32 v7, $0x3  }
0x132: {  	v7 =	vand.u32 $0x7F, v7;
	v8 =	vand.u32 $0xFFFFFC00, v58  }
0x133: {  	v7 =	vor.u32 v7, v8  }
0x134: {  	v7 =	vadd.s32 v2, v7;
	_ =	sdelay $0x4  }
0x135: {  	[tilespmem:v7+s11+$0x0] =	vst.idx.msk $0xffff, v3  }
0x136: {  	[hbm4b:s28+s2] =	stream.linear.scatter [tilespmem:s11], [sflag:$0x4], $0x4000, $0x38;
	[tilespmem:$0x10200] =	vst v63  }
0x137: {  	_ =	swait.ge [sflag:s12], $0x4000  }
0x138: {  	[sflag:s12] =	ssyncset.done $0x0  }
0x139: {  	[sflag:s12] =	ssyncadd.s32 $0xFFFFC000  }
0x13a: {  	[tilespmem:v4+s8+$0x0] =	vst.idx.msk $0xffff, v0  }
0x13b: {  	v4 =	vld [tilespmem:$0x180];
	_ =	sdelay $0x4  }
0x13c: {  	v59 =	vshll.u32 v4, $0x3  }
0x13d: {  	v4 =	vand.u32 $0x7F, v4;
	v8 =	vand.u32 $0xFFFFFC00, v59  }
0x13e: {  	v4 =	vor.u32 v4, v8  }
0x13f: {  	v4 =	vadd.s32 v2, v4;
	_ =	sdelay $0x4  }
0x140: {  	[tilespmem:v4+s8+$0x0] =	vst.idx.msk $0xffff, v3  }
0x141: {  	[hbm4b:s29+s2] =	stream.linear.scatter [tilespmem:s8], [sflag:$0x1], $0x4000, $0x38;
	[tilespmem:$0x10200] =	vst v63  }
0x142: {  	_ =	swait.ge [sflag:s13], $0x4000  }
0x143: {  	[sflag:s13] =	ssyncset.done $0x0  }
0x144: {  	[sflag:s13] =	ssyncadd.s32 $0xFFFFC000  }
0x145: {  	[tilespmem:v5+s9+$0x0] =	vst.idx.msk $0xffff, v0  }
0x146: {  	v5 =	vld [tilespmem:$0x190];
	_ =	sdelay $0x4  }
0x147: {  	v60 =	vshll.u32 v5, $0x3  }
0x148: {  	v5 =	vand.u32 $0x7F, v5;
	v8 =	vand.u32 $0xFFFFFC00, v60  }
0x149: {  	v5 =	vor.u32 v5, v8  }
0x14a: {  	v5 =	vadd.s32 v2, v5;
	_ =	sdelay $0x4  }
0x14b: {  	[tilespmem:v5+s9+$0x0] =	vst.idx.msk $0xffff, v3  }
0x14c: {  	[hbm4b:s30+s2] =	stream.linear.scatter [tilespmem:s9], [sflag:$0x2], $0x4000, $0x38;
	[tilespmem:$0x10200] =	vst v63  }
0x14d: {  	_ =	swait.ge [sflag:s14], $0x4000  }
0x14e: {  	[sflag:s14] =	ssyncset.done $0x0  }
0x14f: {  	[sflag:s14] =	ssyncadd.s32 $0xFFFFC000  }
0x150: {  	[tilespmem:v6+s10+$0x0] =	vst.idx.msk $0xffff, v0  }
0x151: {  	v6 =	vld [tilespmem:$0x1A0];
	_ =	sdelay $0x4  }
0x152: {  	v61 =	vshll.u32 v6, $0x3  }
0x153: {  	v6 =	vand.u32 $0x7F, v6;
	v8 =	vand.u32 $0xFFFFFC00, v61  }
0x154: {  	v6 =	vor.u32 v6, v8  }
0x155: {  	v6 =	vadd.s32 v2, v6;
	_ =	sdelay $0x4  }
0x156: {  	[tilespmem:v6+s10+$0x0] =	vst.idx.msk $0xffff, v3  }
0x157: {  	[hbm4b:s31+s2] =	stream.linear.scatter [tilespmem:s10], [sflag:$0x3], $0x4000, $0x38;
	[tilespmem:$0x10200] =	vst v63  }
0x158: {  	_ =	swait.ge [sflag:s15], $0x4000  }
0x159: {  	[sflag:s15] =	ssyncset.done $0x0  }
0x15a: {  	[sflag:s15] =	ssyncadd.s32 $0xFFFFC000  }
0x15b: {  	[tilespmem:v7+s11+$0x0] =	vst.idx.msk $0xffff, v0  }
0x15c: {  	v7 =	vld [tilespmem:$0x1B0];
	_ =	sdelay $0x4  }
0x15d: {  	v62 =	vshll.u32 v7, $0x3  }
0x15e: {  	v7 =	vand.u32 $0x7F, v7;
	v8 =	vand.u32 $0xFFFFFC00, v62  }
0x15f: {  	v7 =	vor.u32 v7, v8  }
0x160: {  	v7 =	vadd.s32 v2, v7;
	_ =	sdelay $0x4  }
0x161: {  	[tilespmem:v7+s11+$0x0] =	vst.idx.msk $0xffff, v3  }
0x162: {  	[hbm4b:s0+s2] =	stream.linear.scatter [tilespmem:s11], [sflag:$0x4], $0x4000, $0x38;
	[tilespmem:$0x10200] =	vst v63  }
0x163: {  	_ =	swait.ge [sflag:s12], $0x4000  }
0x164: {  	[sflag:s12] =	ssyncset.done $0x0  }
0x165: {  	[sflag:s12] =	ssyncadd.s32 $0xFFFFC000  }
0x166: {  	[tilespmem:v4+s8+$0x0] =	vst.idx.msk $0xffff, v0  }
0x167: {  	v4 =	vld [tilespmem:$0x1C0];
	_ =	sdelay $0x4  }
0x168: {  	v63 =	vshll.u32 v4, $0x3  }
0x169: {  	v4 =	vand.u32 $0x7F, v4;
	v8 =	vand.u32 $0xFFFFFC00, v63  }
0x16a: {  	v4 =	vor.u32 v4, v8  }
0x16b: {  	v4 =	vadd.s32 v2, v4;
	_ =	sdelay $0x4  }
0x16c: {  	[tilespmem:v4+s8+$0x0] =	vst.idx.msk $0xffff, v3  }
0x16d: {  	[hbm4b:s1+s2] =	stream.linear.scatter [tilespmem:s8], [sflag:$0x1], $0x4000, $0x38;
	[tilespmem:$0x10200] =	vst v63  }
0x16e: {  	_ =	swait.ge [sflag:s13], $0x4000  }
0x16f: {  	[sflag:s13] =	ssyncset.done $0x0  }
0x170: {  	[sflag:s13] =	ssyncadd.s32 $0xFFFFC000  }
0x171: {  	[tilespmem:v5+s9+$0x0] =	vst.idx.msk $0xffff, v0  }
0x172: {  	v4 =	vld [tilespmem:$0x1D0];
	_ =	sdelay $0x4  }
0x173: {  	v5 =	vshll.u32 v4, $0x3  }
0x174: {  	v4 =	vand.u32 $0x7F, v4;
	v5 =	vand.u32 $0xFFFFFC00, v5  }
0x175: {  	v4 =	vor.u32 v4, v5  }
0x176: {  	v4 =	vadd.s32 v2, v4;
	_ =	sdelay $0x4  }
0x177: {  	[tilespmem:v4+s9+$0x0] =	vst.idx.msk $0xffff, v3  }
0x178: {  	[hbm4b:s3+s2] =	stream.linear.scatter [tilespmem:s9], [sflag:$0x2], $0x4000, $0x38;
	[tilespmem:$0x10200] =	vst v63  }
0x179: {  	_ =	swait.ge [sflag:s14], $0x4000  }
0x17a: {  	[sflag:s14] =	ssyncset.done $0x0  }
0x17b: {  	[sflag:s14] =	ssyncadd.s32 $0xFFFFC000  }
0x17c: {  	[tilespmem:v6+s10+$0x0] =	vst.idx.msk $0xffff, v0  }
0x17d: {  	v4 =	vld [tilespmem:$0x1E0];
	_ =	sdelay $0x4  }
0x17e: {  	v5 =	vshll.u32 v4, $0x3  }
0x17f: {  	v4 =	vand.u32 $0x7F, v4;
	v5 =	vand.u32 $0xFFFFFC00, v5  }
0x180: {  	v4 =	vor.u32 v4, v5  }
0x181: {  	v4 =	vadd.s32 v2, v4;
	_ =	sdelay $0x4  }
0x182: {  	[tilespmem:v4+s10+$0x0] =	vst.idx.msk $0xffff, v3  }
0x183: {  	[hbm4b:s4+s2] =	stream.linear.scatter [tilespmem:s10], [sflag:$0x3], $0x4000, $0x38;
	[tilespmem:$0x10200] =	vst v63  }
0x184: {  	_ =	swait.ge [sflag:s15], $0x4000  }
0x185: {  	[sflag:s15] =	ssyncset.done $0x0  }
0x186: {  	[sflag:s15] =	ssyncadd.s32 $0xFFFFC000  }
0x187: {  	[tilespmem:v7+s11+$0x0] =	vst.idx.msk $0xffff, v0  }
0x188: {  	v4 =	vld [tilespmem:$0x1F0];
	_ =	sdelay $0x4  }
0x189: {  	v5 =	vshll.u32 v4, $0x3  }
0x18a: {  	v4 =	vand.u32 $0x7F, v4;
	v5 =	vand.u32 $0xFFFFFC00, v5  }
0x18b: {  	v4 =	vor.u32 v4, v5  }
0x18c: {  	v4 =	vadd.s32 v2, v4;
	_ =	sdelay $0x4  }
0x18d: {  	[tilespmem:v4+s11+$0x0] =	vst.idx.msk $0xffff, v3  }
0x18e: {  	[hbm4b:s5+s2] =	stream.linear.scatter [tilespmem:s11], [sflag:$0x4], $0x4000, $0x38;
	[tilespmem:$0x10200] =	vst v63  }
0x18f: {  	_ =	swait.ge [sflag:s12], $0x4000  }
0x190: {  	[sflag:s12] =	ssyncset.done $0x0  }
0x191: {  	[sflag:s12] =	ssyncadd.s32 $0xFFFFC000  }
0x192: {  	_ =	swait.ge [sflag:s13], $0x4000  }
0x193: {  	[sflag:s13] =	ssyncset.done $0x0  }
0x194: {  	s16 =	sadd.s32 $0x1, s16;
	[sflag:s13] =	ssyncadd.s32 $0xFFFFC000  }
0x195: {  	p0 =	sne.s32 s16, s6;
	_ =	swait.ge [sflag:s14], $0x4000  }
.Ltmp2:
0x196: {  	[sflag:s14] =	ssyncset.done $0x0;
	(pc) =	sbr.rel @p0 .LBB2_1-.Ltmp2, $4  }
0x197: {  	[sflag:s14] =	ssyncadd.s32 $0xFFFFC000  }
0x198: {  	_ =	swait.ge [sflag:s15], $0x4000  }
0x199: {  	[sflag:s15] =	ssyncset.done $0x0  }
0x19a: {  	[sflag:s15] =	ssyncadd.s32 $0xFFFFC000  }
0x19b: {  	_ =	sfence.sel $0x180000  }
0x19c: {  	[bflag:$0x0] =	sbarrier.arrive $0xFFFF  }
0x19d: {  	_ =	strace $0x90000047  }
0x19e: {  	s0 =	stileid.u32;
	[bflag:$0x2] =	sbarrier.arrive $0xFFFF  }
0x19f: {  	p0 =	sne.s32 s0, $0x0;
	s0 =	rddreg [dreg:$0x2]  }
0x1a0: {  	s0 =	sadd.s32 @!p0 $0x100000, s0  }
0x1a1: {  	[sflag:s0] =	ssyncadd.tile.s32 @!p0 $0x1;
	_ =	shalt  }
.Lfunc_end2:
_tile_overlayer_lowered:
.L_overlay_start_2:
0x1a2: {  	(tag) =	ssettag $0x2  }
0x1a3: {  	s0 =	rddreg [dreg:$0x0];
	s2 =	stileid.u32  }
0x1a4: {  	s1 =	rddreg [dreg:$0x1];
	p0 =	sne.s32 s2, $0x0  }
0x1a5: {  	s3 =	rddreg [dreg:$0x2];
	[bflag:$0x3] =	sbarrier.arrive $0xFFFF;
	s2 =	simm.s32 @!p0 $0x1C05  }
0x1a6: {  	[timem:s3], [sflag:s2] =	dma.local @!p0 [hbm:s0], s1  }
0x1a7: {  	s0 =	simm.s32 @!p0 $0x5  }
0x1a8: {  	_ =	swait.ge @!p0 [sflag:s0], s1  }
0x1a9: {  	s1 =	ssub.s32 @!p0 $0x0, s1;
	[sflag:s0] =	ssyncset.done @!p0 $0x0  }
0x1aa: {  	[sflag:s0] =	ssyncadd.s32 @!p0 s1  }
0x1ab: {  	[bflag:$0x3] =	sbarrier.arrive $0xFFFF  }
0x1ac: {  	_ =	shalt  }

</sc_bundles>
